<compile_context>
chip_gen: v7x
topology: tpu7x:2x2x1
jax: 0.10.2.dev20260603
libtpu: 0.0.44.dev20260713+nightly
codegen_flags: <defaults>
</compile_context>

<pallas_src>
import jax
import jax.numpy as jnp
from jax import lax
from jax.experimental import pallas as pl
from jax.experimental.pallas import tpu as pltpu
from jax.experimental.pallas import tpu_sc as plsc

_VOCAB = 100000
_LEN = 50
_DIM = 64
_BATCH = 4096
_DP = 16
_NC, _NS = 2, 16
_NW = _NC * _NS
_BPW = _BATCH // _NW


_BLK = 20000
_NBLK = _VOCAB // _BLK
_G = _BLK // 8


def _proj_body(t_ref, w_ref, o_ref):
    acc = jnp.zeros((_G, 8 * _DP), jnp.float32)
    for r in range(8):
        acc = acc + jnp.dot(t_ref[0, :, r, :], w_ref[r],
                            preferred_element_type=jnp.float32)
    o_ref[...] = acc.reshape(1, _G, 8 * _DP)


def _project(table, w_blk):
    return pl.pallas_call(
        _proj_body,
        grid=(_NBLK,),
        in_specs=[
            pl.BlockSpec((1, _G, 8, _DIM), lambda i: (i, 0, 0, 0)),
            pl.BlockSpec((8, _DIM, 8 * _DP), lambda i: (0, 0, 0)),
        ],
        out_specs=pl.BlockSpec((1, _G, 8 * _DP), lambda i: (i, 0, 0)),
        out_shape=jax.ShapeDtypeStruct((_NBLK, _G, 8 * _DP), jnp.float32),
    )(table.reshape(_NBLK, _G, 8, _DIM), w_blk)


_EPC = 2
_CPW = _EPC * _LEN
_NCHUNK = _BPW // _EPC
_WIN = 24


def _sc_body(idx_hbm, p_hbm, bias_hbm, out_hbm, idx_v, rows_v, out_v, bias_v,
             sem):
    wid = lax.axis_index("s") * _NC + lax.axis_index("c")
    pltpu.sync_copy(idx_hbm.at[wid], idx_v)
    pltpu.sync_copy(bias_hbm, bias_v)
    bias = bias_v[...]

    def _fire(j):
        pltpu.async_copy(p_hbm.at[idx_v.at[j]], rows_v.at[j], sem)

    def _drain(j):
        pltpu.make_async_copy(p_hbm.at[idx_v.at[j]], rows_v.at[j],
                              sem).wait()

    def _finalize(y):
        sq = jnp.maximum(y[0] * y[0] + y[1] * y[1] + y[2] * y[2],
                         jnp.float32(1e-12))
        bits = lax.bitcast_convert_type(sq, jnp.int32)
        bits = 0x5F3759DF - lax.shift_right_logical(bits, 1)
        r = lax.bitcast_convert_type(bits, jnp.float32)
        for _ in range(3):
            r = r * (1.5 - 0.5 * sq * r * r)
        return y * r

    def _process(j):
        for e in range(_EPC):
            part = [None] * 4
            for t in range(_LEN):
                v = rows_v[j, e * _LEN + t]
                k = t % 4
                part[k] = v if part[k] is None else part[k] + v
            acc = (part[0] + part[1]) + (part[2] + part[3])
            y = acc * (1.0 / _LEN) + bias
            out_v[_EPC * j + e] = _finalize(y)

    def fire(j, c):
        _fire(j)
        return c

    def steady(j, c):
        _fire(j + _WIN)
        _drain(j)
        _process(j)
        return c

    def tail(j, c):
        _drain(j)
        _process(j)
        return c

    lax.fori_loop(0, _WIN, fire, 0)
    lax.fori_loop(0, _NCHUNK - _WIN, steady, 0)
    lax.fori_loop(_NCHUNK - _WIN, _NCHUNK, tail, 0)
    pltpu.sync_copy(out_v, out_hbm.at[pl.ds(wid * _BPW, _BPW)])


def kernel(inputs, table, W, b):
    w_blk = jnp.zeros((8, _DIM, 8 * _DP), jnp.float32)
    for _r in range(8):
        w_blk = w_blk.at[_r, :, 16 * _r:16 * _r + 3].set(W)
    b_pad = jnp.zeros((_DP,), jnp.float32).at[:3].set(b)
    p = _project(table, w_blk).reshape(_VOCAB, _DP)
    idx = inputs.astype(jnp.int32).reshape(_NW, _NCHUNK, _CPW)
    mesh = plsc.VectorSubcoreMesh(core_axis_name="c", subcore_axis_name="s")
    out = pl.kernel(
        _sc_body,
        out_type=jax.ShapeDtypeStruct((_BATCH, _DP), jnp.float32),
        mesh=mesh,
        compiler_params=pltpu.CompilerParams(use_tc_tiling_on_sc=False),
        scratch_types=[
            pltpu.VMEM((_NCHUNK, _CPW), jnp.int32),
            pltpu.VMEM((_NCHUNK, _CPW, _DP), jnp.float32),
            pltpu.VMEM((_BPW, _DP), jnp.float32),
            pltpu.VMEM((_DP,), jnp.float32),
            pltpu.SemaphoreType.DMA,
        ],
    )(idx, p, b_pad)
    return out[:, :3]

# --- scband reference (transcript-rebuilt; emitter-appended) ---
"""Pipeline reference for scband-manifold-embedding-60241211294423 (READ-ONLY COPY).

The authoritative reference and input builder live on the scoring server;
editing this copy changes nothing except your own understanding.
"""

import jax, jax.numpy as jnp
import numpy as np

VOCAB = 100000
MAX_LEN = 50
EMB_DIM = 64
BATCH = 4096

def setup_inputs(seed: int = 0) -> dict:
    key = jax.random.key(seed)
    k1, k2, k3 = jax.random.split(key, 3)
    inputs = jax.random.randint(k1, (BATCH, MAX_LEN), 0, VOCAB, dtype=jnp.int64 if jax.config.jax_enable_x64 else jnp.int32)
    table = jax.random.normal(k2, (VOCAB, EMB_DIM), dtype=jnp.float32) * 0.05
    W = jax.random.normal(k3, (EMB_DIM, 3), dtype=jnp.float32) * 0.1
    b = jnp.zeros((3,), dtype=jnp.float32)
    return {"inputs": inputs, "table": table, "W": W, "b": b}

def reference(inputs, table, W, b):
    # Embedding lookup: [B, L, D]
    x = jnp.take(table, inputs, axis=0)
    # GlobalAveragePooling1D over sequence axis -> [B, D]
    x = jnp.mean(x, axis=1)
    # Dense to 3 dims
    x = x @ W + b
    # project_to_sphere: tf.math.l2_normalize(x, axis=1)
    sq = jnp.sum(x * x, axis=1, keepdims=True)
    inv = jax.lax.rsqrt(jnp.maximum(sq, 1e-12))
    return x * inv

if __name__ == "__main__":
    import jax
    _d = setup_inputs()
    print(jax.jit(kernel)(*tuple(_d.values())))

</pallas_src>

<mosaic_0001>
#map = affine_map<(d0, d1) -> (0, 0, 0)>
#map1 = affine_map<(d0, d1) -> (0, 0)>
#map2 = affine_map<(d0, d1) -> (0)>
module attributes {stable_mosaic.version = 14 : i64} {
  func.func @_sc_body(%arg0: i32, %arg1: i32, %arg2: memref<32x64x100xi32, #tpu.memory_space<hbm>>, %arg3: memref<100000x16xf32, #tpu.memory_space<hbm>>, %arg4: memref<16xf32, #tpu.memory_space<hbm>>, %arg5: memref<4096x16xf32, #tpu.memory_space<hbm>>, %arg6: memref<64x100xi32, #tpu.memory_space<vmem>>, %arg7: memref<64x100x16xf32, #tpu.memory_space<vmem>>, %arg8: memref<128x16xf32, #tpu.memory_space<vmem>>, %arg9: memref<16xf32, #tpu.memory_space<vmem>>, %arg10: memref<!tpu.dma_semaphore, #tpu.memory_space<semaphore_mem>>) attributes {dimension_semantics = [#tpu.dimension_semantics<core_parallel>, #tpu.dimension_semantics<subcore_parallel>], iteration_bounds = array<i64: 2, 16>, scalar_prefetch = 0 : i64, scratch_operands = 5 : i64, tpu.core_type = #tpu.core_type<sc_vector_subcore>, window_params = [{transform_indices = #map}, {transform_indices = #map1}, {transform_indices = #map2}, {transform_indices = #map1}]} {
    %mul3A = arith.constant 2 : i32
    %mul3A_0 = arith.muli %arg1, %mul3A : i32
    %add3A = arith.addi %mul3A_0, %arg0 : i32
    "tpu.region"() ({
      %run_scoped3A = tpu.sem_alloc : memref<!tpu.dma_semaphore, #tpu.memory_space<semaphore_mem>>
      %dma_start3A = arith.constant 0 : i32
      %dma_start3A_22 = arith.constant 0 : i32
      %dma_start3A_23 = tpu.memref_slice %arg2[%add3A, %dma_start3A, %dma_start3A_22] : memref<32x64x100xi32, #tpu.memory_space<hbm>> -> memref<1x64x100xi32, #tpu.memory_space<hbm>>
      %dma_start3A_24 = tpu.memref_squeeze %dma_start3A_23 : memref<1x64x100xi32, #tpu.memory_space<hbm>> -> memref<64x100xi32, #tpu.memory_space<hbm>>
      %dma_start3A_25 = arith.constant 0 : i32
      %dma_start3A_26 = arith.constant 0 : i32
      %dma_start3A_27 = tpu.memref_slice %arg2[%add3A, %dma_start3A_25, %dma_start3A_26] : memref<32x64x100xi32, #tpu.memory_space<hbm>> -> memref<1x64x100xi32, #tpu.memory_space<hbm>>
      %dma_start3A_28 = tpu.memref_squeeze %dma_start3A_27 : memref<1x64x100xi32, #tpu.memory_space<hbm>> -> memref<64x100xi32, #tpu.memory_space<hbm>>
      tpu.enqueue_dma source(%dma_start3A_28 : memref<64x100xi32, #tpu.memory_space<hbm>>) target(%arg6 : memref<64x100xi32, #tpu.memory_space<vmem>>) target_semaphore(%run_scoped3A : memref<!tpu.dma_semaphore, #tpu.memory_space<semaphore_mem>>)
      %dma_wait3A = arith.constant 0 : i32
      %dma_wait3A_29 = arith.constant 0 : i32
      %dma_wait3A_30 = tpu.memref_slice %arg2[%add3A, %dma_wait3A, %dma_wait3A_29] : memref<32x64x100xi32, #tpu.memory_space<hbm>> -> memref<1x64x100xi32, #tpu.memory_space<hbm>>
      %dma_wait3A_31 = tpu.memref_squeeze %dma_wait3A_30 : memref<1x64x100xi32, #tpu.memory_space<hbm>> -> memref<64x100xi32, #tpu.memory_space<hbm>>
      %dma_wait3A_32 = arith.constant 0 : i32
      %dma_wait3A_33 = arith.constant 0 : i32
      %dma_wait3A_34 = tpu.memref_slice %arg2[%add3A, %dma_wait3A_32, %dma_wait3A_33] : memref<32x64x100xi32, #tpu.memory_space<hbm>> -> memref<1x64x100xi32, #tpu.memory_space<hbm>>
      %dma_wait3A_35 = tpu.memref_squeeze %dma_wait3A_34 : memref<1x64x100xi32, #tpu.memory_space<hbm>> -> memref<64x100xi32, #tpu.memory_space<hbm>>
      tpu.wait_dma2 semaphore(%run_scoped3A : memref<!tpu.dma_semaphore, #tpu.memory_space<semaphore_mem>>) src(%dma_wait3A_35 : memref<64x100xi32, #tpu.memory_space<hbm>>) dst(%arg6 : memref<64x100xi32, #tpu.memory_space<vmem>>)
      tpu.yield
    }) : () -> ()
    "tpu.region"() ({
      %run_scoped3A = tpu.sem_alloc : memref<!tpu.dma_semaphore, #tpu.memory_space<semaphore_mem>>
      tpu.enqueue_dma source(%arg4 : memref<16xf32, #tpu.memory_space<hbm>>) target(%arg9 : memref<16xf32, #tpu.memory_space<vmem>>) target_semaphore(%run_scoped3A : memref<!tpu.dma_semaphore, #tpu.memory_space<semaphore_mem>>)
      tpu.wait_dma2 semaphore(%run_scoped3A : memref<!tpu.dma_semaphore, #tpu.memory_space<semaphore_mem>>) src(%arg4 : memref<16xf32, #tpu.memory_space<hbm>>) dst(%arg9 : memref<16xf32, #tpu.memory_space<vmem>>)
      tpu.yield
    }) : () -> ()
    %get3A = arith.constant 0 : index
    %get3A_1 = tpu.vector_load %arg9[%get3A] {strides = array<i32>} : memref<16xf32, #tpu.memory_space<vmem>>, vector<16xf32>,
    %get3A_2 = vector.shape_cast %get3A_1 : vector<16xf32> to vector<16xf32>
    %scan3A = arith.constant 0 : i32
    %scan3A_3 = arith.constant 0 : i32
    %scan3A_4 = arith.constant 24 : i32
    %scan3A_5 = arith.addi %scan3A_3, %scan3A_4 : i32
    %scan3A_6 = arith.constant 1 : i32
    scf.for %scan3A_22 = %scan3A_3 to %scan3A_5 step %scan3A_6  : i32 {
      %dma_start3A = arith.constant 0 : i32
      %dma_start3A_23 = arith.constant 0 : i32
      %dma_start3A_24 = tpu.memref_slice %arg7[%scan3A_22, %dma_start3A, %dma_start3A_23] : memref<64x100x16xf32, #tpu.memory_space<vmem>> -> memref<1x100x16xf32, #tpu.memory_space<vmem>>
      %dma_start3A_25 = tpu.memref_squeeze %dma_start3A_24 : memref<1x100x16xf32, #tpu.memory_space<vmem>> -> memref<100x16xf32, #tpu.memory_space<vmem>>
      %dma_start3A_26 = arith.constant 0 : i32
      %dma_start3A_27 = tpu.memref_slice %arg6[%scan3A_22, %dma_start3A_26] : memref<64x100xi32, #tpu.memory_space<vmem>> -> memref<1x100xi32, #tpu.memory_space<vmem>>
      %dma_start3A_28 = tpu.memref_squeeze %dma_start3A_27 : memref<1x100xi32, #tpu.memory_space<vmem>> -> memref<100xi32, #tpu.memory_space<vmem>>
      %dma_start3A_29 = arith.constant 0 : i32
      %dma_start3A_30 = arith.constant 0 : i32
      %dma_start3A_31 = tpu.memref_slice %arg3[%dma_start3A_29, %dma_start3A_30] : memref<100000x16xf32, #tpu.memory_space<hbm>> -> memref<100000x16xf32, #tpu.memory_space<hbm>>
      tpu.enqueue_indirect_dma source(%dma_start3A_31 : memref<100000x16xf32, #tpu.memory_space<hbm>>) target(%dma_start3A_25 : memref<100x16xf32, #tpu.memory_space<vmem>>) offsets(%dma_start3A_28 : memref<100xi32, #tpu.memory_space<vmem>>) semaphore(%arg10 : memref<!tpu.dma_semaphore, #tpu.memory_space<semaphore_mem>>)
    }
    %scan3A_7 = arith.constant 24 : i32
    %scan3A_8 = arith.constant 0 : i32
    %scan3A_9 = arith.constant 0 : i32
    %scan3A_10 = arith.constant 40 : i32
    %scan3A_11 = arith.addi %scan3A_9, %scan3A_10 : i32
    %scan3A_12 = arith.constant 1 : i32
    scf.for %scan3A_22 = %scan3A_9 to %scan3A_11 step %scan3A_12  : i32 {
      %add3A_23 = arith.constant 24 : i32
      %add3A_24 = arith.addi %scan3A_22, %add3A_23 : i32
      %dma_start3A = arith.constant 0 : i32
      %dma_start3A_25 = arith.constant 0 : i32
      %dma_start3A_26 = tpu.memref_slice %arg7[%add3A_24, %dma_start3A, %dma_start3A_25] : memref<64x100x16xf32, #tpu.memory_space<vmem>> -> memref<1x100x16xf32, #tpu.memory_space<vmem>>
      %dma_start3A_27 = tpu.memref_squeeze %dma_start3A_26 : memref<1x100x16xf32, #tpu.memory_space<vmem>> -> memref<100x16xf32, #tpu.memory_space<vmem>>
      %dma_start3A_28 = arith.constant 0 : i32
      %dma_start3A_29 = tpu.memref_slice %arg6[%add3A_24, %dma_start3A_28] : memref<64x100xi32, #tpu.memory_space<vmem>> -> memref<1x100xi32, #tpu.memory_space<vmem>>
      %dma_start3A_30 = tpu.memref_squeeze %dma_start3A_29 : memref<1x100xi32, #tpu.memory_space<vmem>> -> memref<100xi32, #tpu.memory_space<vmem>>
      %dma_start3A_31 = arith.constant 0 : i32
      %dma_start3A_32 = arith.constant 0 : i32
      %dma_start3A_33 = tpu.memref_slice %arg3[%dma_start3A_31, %dma_start3A_32] : memref<100000x16xf32, #tpu.memory_space<hbm>> -> memref<100000x16xf32, #tpu.memory_space<hbm>>
      tpu.enqueue_indirect_dma source(%dma_start3A_33 : memref<100000x16xf32, #tpu.memory_space<hbm>>) target(%dma_start3A_27 : memref<100x16xf32, #tpu.memory_space<vmem>>) offsets(%dma_start3A_30 : memref<100xi32, #tpu.memory_space<vmem>>) semaphore(%arg10 : memref<!tpu.dma_semaphore, #tpu.memory_space<semaphore_mem>>)
      %dma_wait3A = arith.constant 0 : i32
      %dma_wait3A_34 = arith.constant 0 : i32
      %dma_wait3A_35 = tpu.memref_slice %arg7[%scan3A_22, %dma_wait3A, %dma_wait3A_34] : memref<64x100x16xf32, #tpu.memory_space<vmem>> -> memref<1x100x16xf32, #tpu.memory_space<vmem>>
      %dma_wait3A_36 = tpu.memref_squeeze %dma_wait3A_35 : memref<1x100x16xf32, #tpu.memory_space<vmem>> -> memref<100x16xf32, #tpu.memory_space<vmem>>
      %dma_wait3A_37 = arith.constant 0 : i32
      %dma_wait3A_38 = tpu.memref_slice %arg6[%scan3A_22, %dma_wait3A_37] : memref<64x100xi32, #tpu.memory_space<vmem>> -> memref<1x100xi32, #tpu.memory_space<vmem>>
      %dma_wait3A_39 = tpu.memref_squeeze %dma_wait3A_38 : memref<1x100xi32, #tpu.memory_space<vmem>> -> memref<100xi32, #tpu.memory_space<vmem>>
      %dma_wait3A_40 = arith.constant 0 : i32
      %dma_wait3A_41 = arith.constant 0 : i32
      %dma_wait3A_42 = tpu.memref_slice %arg3[%dma_wait3A_40, %dma_wait3A_41] : memref<100000x16xf32, #tpu.memory_space<hbm>> -> memref<100000x16xf32, #tpu.memory_space<hbm>>
      tpu.wait_indirect_dma semaphore(%arg10 : memref<!tpu.dma_semaphore, #tpu.memory_space<semaphore_mem>>) src(%dma_wait3A_42 : memref<100000x16xf32, #tpu.memory_space<hbm>>) dst(%dma_wait3A_36 : memref<100x16xf32, #tpu.memory_space<vmem>>)
      %get3A_43 = arith.constant 0 : i32
      %get3A_44 = arith.index_cast %scan3A_22 : i32 to index
      %get3A_45 = arith.index_cast %get3A_43 : i32 to index
      %get3A_46 = arith.constant 0 : index
      %get3A_47 = tpu.vector_load %arg7[%get3A_44, %get3A_45, %get3A_46] {strides = array<i32>} : memref<64x100x16xf32, #tpu.memory_space<vmem>>, vector<1x1x16xf32>,
      %get3A_48 = vector.shape_cast %get3A_47 : vector<1x1x16xf32> to vector<16xf32>
      %get3A_49 = arith.constant 1 : i32
      %get3A_50 = arith.index_cast %scan3A_22 : i32 to index
      %get3A_51 = arith.index_cast %get3A_49 : i32 to index
      %get3A_52 = arith.constant 0 : index
      %get3A_53 = tpu.vector_load %arg7[%get3A_50, %get3A_51, %get3A_52] {strides = array<i32>} : memref<64x100x16xf32, #tpu.memory_space<vmem>>, vector<1x1x16xf32>,
      %get3A_54 = vector.shape_cast %get3A_53 : vector<1x1x16xf32> to vector<16xf32>
      %get3A_55 = arith.constant 2 : i32
      %get3A_56 = arith.index_cast %scan3A_22 : i32 to index
      %get3A_57 = arith.index_cast %get3A_55 : i32 to index
      %get3A_58 = arith.constant 0 : index
      %get3A_59 = tpu.vector_load %arg7[%get3A_56, %get3A_57, %get3A_58] {strides = array<i32>} : memref<64x100x16xf32, #tpu.memory_space<vmem>>, vector<1x1x16xf32>,
      %get3A_60 = vector.shape_cast %get3A_59 : vector<1x1x16xf32> to vector<16xf32>
      %get3A_61 = arith.constant 3 : i32
      %get3A_62 = arith.index_cast %scan3A_22 : i32 to index
      %get3A_63 = arith.index_cast %get3A_61 : i32 to index
      %get3A_64 = arith.constant 0 : index
      %get3A_65 = tpu.vector_load %arg7[%get3A_62, %get3A_63, %get3A_64] {strides = array<i32>} : memref<64x100x16xf32, #tpu.memory_space<vmem>>, vector<1x1x16xf32>,
      %get3A_66 = vector.shape_cast %get3A_65 : vector<1x1x16xf32> to vector<16xf32>
      %get3A_67 = arith.constant 4 : i32
      %get3A_68 = arith.index_cast %scan3A_22 : i32 to index
      %get3A_69 = arith.index_cast %get3A_67 : i32 to index
      %get3A_70 = arith.constant 0 : index
      %get3A_71 = tpu.vector_load %arg7[%get3A_68, %get3A_69, %get3A_70] {strides = array<i32>} : memref<64x100x16xf32, #tpu.memory_space<vmem>>, vector<1x1x16xf32>,
      %get3A_72 = vector.shape_cast %get3A_71 : vector<1x1x16xf32> to vector<16xf32>
      %add3A_73 = arith.addf %get3A_48, %get3A_72 : vector<16xf32>
      %get3A_74 = arith.constant 5 : i32
      %get3A_75 = arith.index_cast %scan3A_22 : i32 to index
      %get3A_76 = arith.index_cast %get3A_74 : i32 to index
      %get3A_77 = arith.constant 0 : index
      %get3A_78 = tpu.vector_load %arg7[%get3A_75, %get3A_76, %get3A_77] {strides = array<i32>} : memref<64x100x16xf32, #tpu.memory_space<vmem>>, vector<1x1x16xf32>,
      %get3A_79 = vector.shape_cast %get3A_78 : vector<1x1x16xf32> to vector<16xf32>
      %add3A_80 = arith.addf %get3A_54, %get3A_79 : vector<16xf32>
      %get3A_81 = arith.constant 6 : i32
      %get3A_82 = arith.index_cast %scan3A_22 : i32 to index
      %get3A_83 = arith.index_cast %get3A_81 : i32 to index
      %get3A_84 = arith.constant 0 : index
      %get3A_85 = tpu.vector_load %arg7[%get3A_82, %get3A_83, %get3A_84] {strides = array<i32>} : memref<64x100x16xf32, #tpu.memory_space<vmem>>, vector<1x1x16xf32>,
      %get3A_86 = vector.shape_cast %get3A_85 : vector<1x1x16xf32> to vector<16xf32>
      %add3A_87 = arith.addf %get3A_60, %get3A_86 : vector<16xf32>
      %get3A_88 = arith.constant 7 : i32
      %get3A_89 = arith.index_cast %scan3A_22 : i32 to index
      %get3A_90 = arith.index_cast %get3A_88 : i32 to index
      %get3A_91 = arith.constant 0 : index
      %get3A_92 = tpu.vector_load %arg7[%get3A_89, %get3A_90, %get3A_91] {strides = array<i32>} : memref<64x100x16xf32, #tpu.memory_space<vmem>>, vector<1x1x16xf32>,
      %get3A_93 = vector.shape_cast %get3A_92 : vector<1x1x16xf32> to vector<16xf32>
      %add3A_94 = arith.addf %get3A_66, %get3A_93 : vector<16xf32>
      %get3A_95 = arith.constant 8 : i32
      %get3A_96 = arith.index_cast %scan3A_22 : i32 to index
      %get3A_97 = arith.index_cast %get3A_95 : i32 to index
      %get3A_98 = arith.constant 0 : index
      %get3A_99 = tpu.vector_load %arg7[%get3A_96, %get3A_97, %get3A_98] {strides = array<i32>} : memref<64x100x16xf32, #tpu.memory_space<vmem>>, vector<1x1x16xf32>,
      %get3A_100 = vector.shape_cast %get3A_99 : vector<1x1x16xf32> to vector<16xf32>
      %add3A_101 = arith.addf %add3A_73, %get3A_100 : vector<16xf32>
      %get3A_102 = arith.constant 9 : i32
      %get3A_103 = arith.index_cast %scan3A_22 : i32 to index
      %get3A_104 = arith.index_cast %get3A_102 : i32 to index
      %get3A_105 = arith.constant 0 : index
      %get3A_106 = tpu.vector_load %arg7[%get3A_103, %get3A_104, %get3A_105] {strides = array<i32>} : memref<64x100x16xf32, #tpu.memory_space<vmem>>, vector<1x1x16xf32>,
      %get3A_107 = vector.shape_cast %get3A_106 : vector<1x1x16xf32> to vector<16xf32>
      %add3A_108 = arith.addf %add3A_80, %get3A_107 : vector<16xf32>
      %get3A_109 = arith.constant 10 : i32
      %get3A_110 = arith.index_cast %scan3A_22 : i32 to index
      %get3A_111 = arith.index_cast %get3A_109 : i32 to index
      %get3A_112 = arith.constant 0 : index
      %get3A_113 = tpu.vector_load %arg7[%get3A_110, %get3A_111, %get3A_112] {strides = array<i32>} : memref<64x100x16xf32, #tpu.memory_space<vmem>>, vector<1x1x16xf32>,
      %get3A_114 = vector.shape_cast %get3A_113 : vector<1x1x16xf32> to vector<16xf32>
      %add3A_115 = arith.addf %add3A_87, %get3A_114 : vector<16xf32>
      %get3A_116 = arith.constant 11 : i32
      %get3A_117 = arith.index_cast %scan3A_22 : i32 to index
      %get3A_118 = arith.index_cast %get3A_116 : i32 to index
      %get3A_119 = arith.constant 0 : index
      %get3A_120 = tpu.vector_load %arg7[%get3A_117, %get3A_118, %get3A_119] {strides = array<i32>} : memref<64x100x16xf32, #tpu.memory_space<vmem>>, vector<1x1x16xf32>,
      %get3A_121 = vector.shape_cast %get3A_120 : vector<1x1x16xf32> to vector<16xf32>
      %add3A_122 = arith.addf %add3A_94, %get3A_121 : vector<16xf32>
      %get3A_123 = arith.constant 12 : i32
      %get3A_124 = arith.index_cast %scan3A_22 : i32 to index
      %get3A_125 = arith.index_cast %get3A_123 : i32 to index
      %get3A_126 = arith.constant 0 : index
      %get3A_127 = tpu.vector_load %arg7[%get3A_124, %get3A_125, %get3A_126] {strides = array<i32>} : memref<64x100x16xf32, #tpu.memory_space<vmem>>, vector<1x1x16xf32>,
      %get3A_128 = vector.shape_cast %get3A_127 : vector<1x1x16xf32> to vector<16xf32>
      %add3A_129 = arith.addf %add3A_101, %get3A_128 : vector<16xf32>
      %get3A_130 = arith.constant 13 : i32
      %get3A_131 = arith.index_cast %scan3A_22 : i32 to index
      %get3A_132 = arith.index_cast %get3A_130 : i32 to index
      %get3A_133 = arith.constant 0 : index
      %get3A_134 = tpu.vector_load %arg7[%get3A_131, %get3A_132, %get3A_133] {strides = array<i32>} : memref<64x100x16xf32, #tpu.memory_space<vmem>>, vector<1x1x16xf32>,
      %get3A_135 = vector.shape_cast %get3A_134 : vector<1x1x16xf32> to vector<16xf32>
      %add3A_136 = arith.addf %add3A_108, %get3A_135 : vector<16xf32>
      %get3A_137 = arith.constant 14 : i32
      %get3A_138 = arith.index_cast %scan3A_22 : i32 to index
      %get3A_139 = arith.index_cast %get3A_137 : i32 to index
      %get3A_140 = arith.constant 0 : index
      %get3A_141 = tpu.vector_load %arg7[%get3A_138, %get3A_139, %get3A_140] {strides = array<i32>} : memref<64x100x16xf32, #tpu.memory_space<vmem>>, vector<1x1x16xf32>,
      %get3A_142 = vector.shape_cast %get3A_141 : vector<1x1x16xf32> to vector<16xf32>
      %add3A_143 = arith.addf %add3A_115, %get3A_142 : vector<16xf32>
      %get3A_144 = arith.constant 15 : i32
      %get3A_145 = arith.index_cast %scan3A_22 : i32 to index
      %get3A_146 = arith.index_cast %get3A_144 : i32 to index
      %get3A_147 = arith.constant 0 : index
      %get3A_148 = tpu.vector_load %arg7[%get3A_145, %get3A_146, %get3A_147] {strides = array<i32>} : memref<64x100x16xf32, #tpu.memory_space<vmem>>, vector<1x1x16xf32>,
      %get3A_149 = vector.shape_cast %get3A_148 : vector<1x1x16xf32> to vector<16xf32>
      %add3A_150 = arith.addf %add3A_122, %get3A_149 : vector<16xf32>
      %get3A_151 = arith.constant 16 : i32
      %get3A_152 = arith.index_cast %scan3A_22 : i32 to index
      %get3A_153 = arith.index_cast %get3A_151 : i32 to index
      %get3A_154 = arith.constant 0 : index
      %get3A_155 = tpu.vector_load %arg7[%get3A_152, %get3A_153, %get3A_154] {strides = array<i32>} : memref<64x100x16xf32, #tpu.memory_space<vmem>>, vector<1x1x16xf32>,
      %get3A_156 = vector.shape_cast %get3A_155 : vector<1x1x16xf32> to vector<16xf32>
      %add3A_157 = arith.addf %add3A_129, %get3A_156 : vector<16xf32>
      %get3A_158 = arith.constant 17 : i32
      %get3A_159 = arith.index_cast %scan3A_22 : i32 to index
      %get3A_160 = arith.index_cast %get3A_158 : i32 to index
      %get3A_161 = arith.constant 0 : index
      %get3A_162 = tpu.vector_load %arg7[%get3A_159, %get3A_160, %get3A_161] {strides = array<i32>} : memref<64x100x16xf32, #tpu.memory_space<vmem>>, vector<1x1x16xf32>,
      %get3A_163 = vector.shape_cast %get3A_162 : vector<1x1x16xf32> to vector<16xf32>
      %add3A_164 = arith.addf %add3A_136, %get3A_163 : vector<16xf32>
      %get3A_165 = arith.constant 18 : i32
      %get3A_166 = arith.index_cast %scan3A_22 : i32 to index
      %get3A_167 = arith.index_cast %get3A_165 : i32 to index
      %get3A_168 = arith.constant 0 : index
      %get3A_169 = tpu.vector_load %arg7[%get3A_166, %get3A_167, %get3A_168] {strides = array<i32>} : memref<64x100x16xf32, #tpu.memory_space<vmem>>, vector<1x1x16xf32>,
      %get3A_170 = vector.shape_cast %get3A_169 : vector<1x1x16xf32> to vector<16xf32>
      %add3A_171 = arith.addf %add3A_143, %get3A_170 : vector<16xf32>
      %get3A_172 = arith.constant 19 : i32
      %get3A_173 = arith.index_cast %scan3A_22 : i32 to index
      %get3A_174 = arith.index_cast %get3A_172 : i32 to index
      %get3A_175 = arith.constant 0 : index
      %get3A_176 = tpu.vector_load %arg7[%get3A_173, %get3A_174, %get3A_175] {strides = array<i32>} : memref<64x100x16xf32, #tpu.memory_space<vmem>>, vector<1x1x16xf32>,
      %get3A_177 = vector.shape_cast %get3A_176 : vector<1x1x16xf32> to vector<16xf32>
      %add3A_178 = arith.addf %add3A_150, %get3A_177 : vector<16xf32>
      %get3A_179 = arith.constant 20 : i32
      %get3A_180 = arith.index_cast %scan3A_22 : i32 to index
      %get3A_181 = arith.index_cast %get3A_179 : i32 to index
      %get3A_182 = arith.constant 0 : index
      %get3A_183 = tpu.vector_load %arg7[%get3A_180, %get3A_181, %get3A_182] {strides = array<i32>} : memref<64x100x16xf32, #tpu.memory_space<vmem>>, vector<1x1x16xf32>,
      %get3A_184 = vector.shape_cast %get3A_183 : vector<1x1x16xf32> to vector<16xf32>
      %add3A_185 = arith.addf %add3A_157, %get3A_184 : vector<16xf32>
      %get3A_186 = arith.constant 21 : i32
      %get3A_187 = arith.index_cast %scan3A_22 : i32 to index
      %get3A_188 = arith.index_cast %get3A_186 : i32 to index
      %get3A_189 = arith.constant 0 : index
      %get3A_190 = tpu.vector_load %arg7[%get3A_187, %get3A_188, %get3A_189] {strides = array<i32>} : memref<64x100x16xf32, #tpu.memory_space<vmem>>, vector<1x1x16xf32>,
      %get3A_191 = vector.shape_cast %get3A_190 : vector<1x1x16xf32> to vector<16xf32>
      %add3A_192 = arith.addf %add3A_164, %get3A_191 : vector<16xf32>
      %get3A_193 = arith.constant 22 : i32
      %get3A_194 = arith.index_cast %scan3A_22 : i32 to index
      %get3A_195 = arith.index_cast %get3A_193 : i32 to index
      %get3A_196 = arith.constant 0 : index
      %get3A_197 = tpu.vector_load %arg7[%get3A_194, %get3A_195, %get3A_196] {strides = array<i32>} : memref<64x100x16xf32, #tpu.memory_space<vmem>>, vector<1x1x16xf32>,
      %get3A_198 = vector.shape_cast %get3A_197 : vector<1x1x16xf32> to vector<16xf32>
      %add3A_199 = arith.addf %add3A_171, %get3A_198 : vector<16xf32>
      %get3A_200 = arith.constant 23 : i32
      %get3A_201 = arith.index_cast %scan3A_22 : i32 to index
      %get3A_202 = arith.index_cast %get3A_200 : i32 to index
      %get3A_203 = arith.constant 0 : index
      %get3A_204 = tpu.vector_load %arg7[%get3A_201, %get3A_202, %get3A_203] {strides = array<i32>} : memref<64x100x16xf32, #tpu.memory_space<vmem>>, vector<1x1x16xf32>,
      %get3A_205 = vector.shape_cast %get3A_204 : vector<1x1x16xf32> to vector<16xf32>
      %add3A_206 = arith.addf %add3A_178, %get3A_205 : vector<16xf32>
      %get3A_207 = arith.constant 24 : i32
      %get3A_208 = arith.index_cast %scan3A_22 : i32 to index
      %get3A_209 = arith.index_cast %get3A_207 : i32 to index
      %get3A_210 = arith.constant 0 : index
      %get3A_211 = tpu.vector_load %arg7[%get3A_208, %get3A_209, %get3A_210] {strides = array<i32>} : memref<64x100x16xf32, #tpu.memory_space<vmem>>, vector<1x1x16xf32>,
      %get3A_212 = vector.shape_cast %get3A_211 : vector<1x1x16xf32> to vector<16xf32>
      %add3A_213 = arith.addf %add3A_185, %get3A_212 : vector<16xf32>
      %get3A_214 = arith.constant 25 : i32
      %get3A_215 = arith.index_cast %scan3A_22 : i32 to index
      %get3A_216 = arith.index_cast %get3A_214 : i32 to index
      %get3A_217 = arith.constant 0 : index
      %get3A_218 = tpu.vector_load %arg7[%get3A_215, %get3A_216, %get3A_217] {strides = array<i32>} : memref<64x100x16xf32, #tpu.memory_space<vmem>>, vector<1x1x16xf32>,
      %get3A_219 = vector.shape_cast %get3A_218 : vector<1x1x16xf32> to vector<16xf32>
      %add3A_220 = arith.addf %add3A_192, %get3A_219 : vector<16xf32>
      %get3A_221 = arith.constant 26 : i32
      %get3A_222 = arith.index_cast %scan3A_22 : i32 to index
      %get3A_223 = arith.index_cast %get3A_221 : i32 to index
      %get3A_224 = arith.constant 0 : index
      %get3A_225 = tpu.vector_load %arg7[%get3A_222, %get3A_223, %get3A_224] {strides = array<i32>} : memref<64x100x16xf32, #tpu.memory_space<vmem>>, vector<1x1x16xf32>,
      %get3A_226 = vector.shape_cast %get3A_225 : vector<1x1x16xf32> to vector<16xf32>
      %add3A_227 = arith.addf %add3A_199, %get3A_226 : vector<16xf32>
      %get3A_228 = arith.constant 27 : i32
      %get3A_229 = arith.index_cast %scan3A_22 : i32 to index
      %get3A_230 = arith.index_cast %get3A_228 : i32 to index
      %get3A_231 = arith.constant 0 : index
      %get3A_232 = tpu.vector_load %arg7[%get3A_229, %get3A_230, %get3A_231] {strides = array<i32>} : memref<64x100x16xf32, #tpu.memory_space<vmem>>, vector<1x1x16xf32>,
      %get3A_233 = vector.shape_cast %get3A_232 : vector<1x1x16xf32> to vector<16xf32>
      %add3A_234 = arith.addf %add3A_206, %get3A_233 : vector<16xf32>
      %get3A_235 = arith.constant 28 : i32
      %get3A_236 = arith.index_cast %scan3A_22 : i32 to index
      %get3A_237 = arith.index_cast %get3A_235 : i32 to index
      %get3A_238 = arith.constant 0 : index
      %get3A_239 = tpu.vector_load %arg7[%get3A_236, %get3A_237, %get3A_238] {strides = array<i32>} : memref<64x100x16xf32, #tpu.memory_space<vmem>>, vector<1x1x16xf32>,
      %get3A_240 = vector.shape_cast %get3A_239 : vector<1x1x16xf32> to vector<16xf32>
      %add3A_241 = arith.addf %add3A_213, %get3A_240 : vector<16xf32>
      %get3A_242 = arith.constant 29 : i32
      %get3A_243 = arith.index_cast %scan3A_22 : i32 to index
      %get3A_244 = arith.index_cast %get3A_242 : i32 to index
      %get3A_245 = arith.constant 0 : index
      %get3A_246 = tpu.vector_load %arg7[%get3A_243, %get3A_244, %get3A_245] {strides = array<i32>} : memref<64x100x16xf32, #tpu.memory_space<vmem>>, vector<1x1x16xf32>,
      %get3A_247 = vector.shape_cast %get3A_246 : vector<1x1x16xf32> to vector<16xf32>
      %add3A_248 = arith.addf %add3A_220, %get3A_247 : vector<16xf32>
      %get3A_249 = arith.constant 30 : i32
      %get3A_250 = arith.index_cast %scan3A_22 : i32 to index
      %get3A_251 = arith.index_cast %get3A_249 : i32 to index
      %get3A_252 = arith.constant 0 : index
      %get3A_253 = tpu.vector_load %arg7[%get3A_250, %get3A_251, %get3A_252] {strides = array<i32>} : memref<64x100x16xf32, #tpu.memory_space<vmem>>, vector<1x1x16xf32>,
      %get3A_254 = vector.shape_cast %get3A_253 : vector<1x1x16xf32> to vector<16xf32>
      %add3A_255 = arith.addf %add3A_227, %get3A_254 : vector<16xf32>
      %get3A_256 = arith.constant 31 : i32
      %get3A_257 = arith.index_cast %scan3A_22 : i32 to index
      %get3A_258 = arith.index_cast %get3A_256 : i32 to index
      %get3A_259 = arith.constant 0 : index
      %get3A_260 = tpu.vector_load %arg7[%get3A_257, %get3A_258, %get3A_259] {strides = array<i32>} : memref<64x100x16xf32, #tpu.memory_space<vmem>>, vector<1x1x16xf32>,
      %get3A_261 = vector.shape_cast %get3A_260 : vector<1x1x16xf32> to vector<16xf32>
      %add3A_262 = arith.addf %add3A_234, %get3A_261 : vector<16xf32>
      %get3A_263 = arith.constant 32 : i32
      %get3A_264 = arith.index_cast %scan3A_22 : i32 to index
      %get3A_265 = arith.index_cast %get3A_263 : i32 to index
      %get3A_266 = arith.constant 0 : index
      %get3A_267 = tpu.vector_load %arg7[%get3A_264, %get3A_265, %get3A_266] {strides = array<i32>} : memref<64x100x16xf32, #tpu.memory_space<vmem>>, vector<1x1x16xf32>,
      %get3A_268 = vector.shape_cast %get3A_267 : vector<1x1x16xf32> to vector<16xf32>
      %add3A_269 = arith.addf %add3A_241, %get3A_268 : vector<16xf32>
      %get3A_270 = arith.constant 33 : i32
      %get3A_271 = arith.index_cast %scan3A_22 : i32 to index
      %get3A_272 = arith.index_cast %get3A_270 : i32 to index
      %get3A_273 = arith.constant 0 : index
      %get3A_274 = tpu.vector_load %arg7[%get3A_271, %get3A_272, %get3A_273] {strides = array<i32>} : memref<64x100x16xf32, #tpu.memory_space<vmem>>, vector<1x1x16xf32>,
      %get3A_275 = vector.shape_cast %get3A_274 : vector<1x1x16xf32> to vector<16xf32>
      %add3A_276 = arith.addf %add3A_248, %get3A_275 : vector<16xf32>
      %get3A_277 = arith.constant 34 : i32
      %get3A_278 = arith.index_cast %scan3A_22 : i32 to index
      %get3A_279 = arith.index_cast %get3A_277 : i32 to index
      %get3A_280 = arith.constant 0 : index
      %get3A_281 = tpu.vector_load %arg7[%get3A_278, %get3A_279, %get3A_280] {strides = array<i32>} : memref<64x100x16xf32, #tpu.memory_space<vmem>>, vector<1x1x16xf32>,
      %get3A_282 = vector.shape_cast %get3A_281 : vector<1x1x16xf32> to vector<16xf32>
      %add3A_283 = arith.addf %add3A_255, %get3A_282 : vector<16xf32>
      %get3A_284 = arith.constant 35 : i32
      %get3A_285 = arith.index_cast %scan3A_22 : i32 to index
      %get3A_286 = arith.index_cast %get3A_284 : i32 to index
      %get3A_287 = arith.constant 0 : index
      %get3A_288 = tpu.vector_load %arg7[%get3A_285, %get3A_286, %get3A_287] {strides = array<i32>} : memref<64x100x16xf32, #tpu.memory_space<vmem>>, vector<1x1x16xf32>,
      %get3A_289 = vector.shape_cast %get3A_288 : vector<1x1x16xf32> to vector<16xf32>
      %add3A_290 = arith.addf %add3A_262, %get3A_289 : vector<16xf32>
      %get3A_291 = arith.constant 36 : i32
      %get3A_292 = arith.index_cast %scan3A_22 : i32 to index
      %get3A_293 = arith.index_cast %get3A_291 : i32 to index
      %get3A_294 = arith.constant 0 : index
      %get3A_295 = tpu.vector_load %arg7[%get3A_292, %get3A_293, %get3A_294] {strides = array<i32>} : memref<64x100x16xf32, #tpu.memory_space<vmem>>, vector<1x1x16xf32>,
      %get3A_296 = vector.shape_cast %get3A_295 : vector<1x1x16xf32> to vector<16xf32>
      %add3A_297 = arith.addf %add3A_269, %get3A_296 : vector<16xf32>
      %get3A_298 = arith.constant 37 : i32
      %get3A_299 = arith.index_cast %scan3A_22 : i32 to index
      %get3A_300 = arith.index_cast %get3A_298 : i32 to index
      %get3A_301 = arith.constant 0 : index
      %get3A_302 = tpu.vector_load %arg7[%get3A_299, %get3A_300, %get3A_301] {strides = array<i32>} : memref<64x100x16xf32, #tpu.memory_space<vmem>>, vector<1x1x16xf32>,
      %get3A_303 = vector.shape_cast %get3A_302 : vector<1x1x16xf32> to vector<16xf32>
      %add3A_304 = arith.addf %add3A_276, %get3A_303 : vector<16xf32>
      %get3A_305 = arith.constant 38 : i32
      %get3A_306 = arith.index_cast %scan3A_22 : i32 to index
      %get3A_307 = arith.index_cast %get3A_305 : i32 to index
      %get3A_308 = arith.constant 0 : index
      %get3A_309 = tpu.vector_load %arg7[%get3A_306, %get3A_307, %get3A_308] {strides = array<i32>} : memref<64x100x16xf32, #tpu.memory_space<vmem>>, vector<1x1x16xf32>,
      %get3A_310 = vector.shape_cast %get3A_309 : vector<1x1x16xf32> to vector<16xf32>
      %add3A_311 = arith.addf %add3A_283, %get3A_310 : vector<16xf32>
      %get3A_312 = arith.constant 39 : i32
      %get3A_313 = arith.index_cast %scan3A_22 : i32 to index
      %get3A_314 = arith.index_cast %get3A_312 : i32 to index
      %get3A_315 = arith.constant 0 : index
      %get3A_316 = tpu.vector_load %arg7[%get3A_313, %get3A_314, %get3A_315] {strides = array<i32>} : memref<64x100x16xf32, #tpu.memory_space<vmem>>, vector<1x1x16xf32>,
      %get3A_317 = vector.shape_cast %get3A_316 : vector<1x1x16xf32> to vector<16xf32>
      %add3A_318 = arith.addf %add3A_290, %get3A_317 : vector<16xf32>
      %get3A_319 = arith.constant 40 : i32
      %get3A_320 = arith.index_cast %scan3A_22 : i32 to index
      %get3A_321 = arith.index_cast %get3A_319 : i32 to index
      %get3A_322 = arith.constant 0 : index
      %get3A_323 = tpu.vector_load %arg7[%get3A_320, %get3A_321, %get3A_322] {strides = array<i32>} : memref<64x100x16xf32, #tpu.memory_space<vmem>>, vector<1x1x16xf32>,
      %get3A_324 = vector.shape_cast %get3A_323 : vector<1x1x16xf32> to vector<16xf32>
      %add3A_325 = arith.addf %add3A_297, %get3A_324 : vector<16xf32>
      %get3A_326 = arith.constant 41 : i32
      %get3A_327 = arith.index_cast %scan3A_22 : i32 to index
      %get3A_328 = arith.index_cast %get3A_326 : i32 to index
      %get3A_329 = arith.constant 0 : index
      %get3A_330 = tpu.vector_load %arg7[%get3A_327, %get3A_328, %get3A_329] {strides = array<i32>} : memref<64x100x16xf32, #tpu.memory_space<vmem>>, vector<1x1x16xf32>,
      %get3A_331 = vector.shape_cast %get3A_330 : vector<1x1x16xf32> to vector<16xf32>
      %add3A_332 = arith.addf %add3A_304, %get3A_331 : vector<16xf32>
      %get3A_333 = arith.constant 42 : i32
      %get3A_334 = arith.index_cast %scan3A_22 : i32 to index
      %get3A_335 = arith.index_cast %get3A_333 : i32 to index
      %get3A_336 = arith.constant 0 : index
      %get3A_337 = tpu.vector_load %arg7[%get3A_334, %get3A_335, %get3A_336] {strides = array<i32>} : memref<64x100x16xf32, #tpu.memory_space<vmem>>, vector<1x1x16xf32>,
      %get3A_338 = vector.shape_cast %get3A_337 : vector<1x1x16xf32> to vector<16xf32>
      %add3A_339 = arith.addf %add3A_311, %get3A_338 : vector<16xf32>
      %get3A_340 = arith.constant 43 : i32
      %get3A_341 = arith.index_cast %scan3A_22 : i32 to index
      %get3A_342 = arith.index_cast %get3A_340 : i32 to index
      %get3A_343 = arith.constant 0 : index
      %get3A_344 = tpu.vector_load %arg7[%get3A_341, %get3A_342, %get3A_343] {strides = array<i32>} : memref<64x100x16xf32, #tpu.memory_space<vmem>>, vector<1x1x16xf32>,
      %get3A_345 = vector.shape_cast %get3A_344 : vector<1x1x16xf32> to vector<16xf32>
      %add3A_346 = arith.addf %add3A_318, %get3A_345 : vector<16xf32>
      %get3A_347 = arith.constant 44 : i32
      %get3A_348 = arith.index_cast %scan3A_22 : i32 to index
      %get3A_349 = arith.index_cast %get3A_347 : i32 to index
      %get3A_350 = arith.constant 0 : index
      %get3A_351 = tpu.vector_load %arg7[%get3A_348, %get3A_349, %get3A_350] {strides = array<i32>} : memref<64x100x16xf32, #tpu.memory_space<vmem>>, vector<1x1x16xf32>,
      %get3A_352 = vector.shape_cast %get3A_351 : vector<1x1x16xf32> to vector<16xf32>
      %add3A_353 = arith.addf %add3A_325, %get3A_352 : vector<16xf32>
      %get3A_354 = arith.constant 45 : i32
      %get3A_355 = arith.index_cast %scan3A_22 : i32 to index
      %get3A_356 = arith.index_cast %get3A_354 : i32 to index
      %get3A_357 = arith.constant 0 : index
      %get3A_358 = tpu.vector_load %arg7[%get3A_355, %get3A_356, %get3A_357] {strides = array<i32>} : memref<64x100x16xf32, #tpu.memory_space<vmem>>, vector<1x1x16xf32>,
      %get3A_359 = vector.shape_cast %get3A_358 : vector<1x1x16xf32> to vector<16xf32>
      %add3A_360 = arith.addf %add3A_332, %get3A_359 : vector<16xf32>
      %get3A_361 = arith.constant 46 : i32
      %get3A_362 = arith.index_cast %scan3A_22 : i32 to index
      %get3A_363 = arith.index_cast %get3A_361 : i32 to index
      %get3A_364 = arith.constant 0 : index
      %get3A_365 = tpu.vector_load %arg7[%get3A_362, %get3A_363, %get3A_364] {strides = array<i32>} : memref<64x100x16xf32, #tpu.memory_space<vmem>>, vector<1x1x16xf32>,
      %get3A_366 = vector.shape_cast %get3A_365 : vector<1x1x16xf32> to vector<16xf32>
      %add3A_367 = arith.addf %add3A_339, %get3A_366 : vector<16xf32>
      %get3A_368 = arith.constant 47 : i32
      %get3A_369 = arith.index_cast %scan3A_22 : i32 to index
      %get3A_370 = arith.index_cast %get3A_368 : i32 to index
      %get3A_371 = arith.constant 0 : index
      %get3A_372 = tpu.vector_load %arg7[%get3A_369, %get3A_370, %get3A_371] {strides = array<i32>} : memref<64x100x16xf32, #tpu.memory_space<vmem>>, vector<1x1x16xf32>,
      %get3A_373 = vector.shape_cast %get3A_372 : vector<1x1x16xf32> to vector<16xf32>
      %add3A_374 = arith.addf %add3A_346, %get3A_373 : vector<16xf32>
      %get3A_375 = arith.constant 48 : i32
      %get3A_376 = arith.index_cast %scan3A_22 : i32 to index
      %get3A_377 = arith.index_cast %get3A_375 : i32 to index
      %get3A_378 = arith.constant 0 : index
      %get3A_379 = tpu.vector_load %arg7[%get3A_376, %get3A_377, %get3A_378] {strides = array<i32>} : memref<64x100x16xf32, #tpu.memory_space<vmem>>, vector<1x1x16xf32>,
      %get3A_380 = vector.shape_cast %get3A_379 : vector<1x1x16xf32> to vector<16xf32>
      %add3A_381 = arith.addf %add3A_353, %get3A_380 : vector<16xf32>
      %get3A_382 = arith.constant 49 : i32
      %get3A_383 = arith.index_cast %scan3A_22 : i32 to index
      %get3A_384 = arith.index_cast %get3A_382 : i32 to index
      %get3A_385 = arith.constant 0 : index
      %get3A_386 = tpu.vector_load %arg7[%get3A_383, %get3A_384, %get3A_385] {strides = array<i32>} : memref<64x100x16xf32, #tpu.memory_space<vmem>>, vector<1x1x16xf32>,
      %get3A_387 = vector.shape_cast %get3A_386 : vector<1x1x16xf32> to vector<16xf32>
      %add3A_388 = arith.addf %add3A_360, %get3A_387 : vector<16xf32>
      %add3A_389 = arith.addf %add3A_381, %add3A_388 : vector<16xf32>
      %add3A_390 = arith.addf %add3A_367, %add3A_374 : vector<16xf32>
      %add3A_391 = arith.addf %add3A_389, %add3A_390 : vector<16xf32>
      %mul3A_392 = arith.constant 2.000000e-02 : f32
      %mul3A_393 = vector.broadcast %mul3A_392 : f32 to vector<16xf32>
      %mul3A_394 = arith.mulf %add3A_391, %mul3A_393 : vector<16xf32>
      %add3A_395 = arith.addf %mul3A_394, %get3A_2 : vector<16xf32>
      %slice3A = vector.extract_strided_slice %add3A_395 {offsets = [0], sizes = [1], strides = [1]} : vector<16xf32> to vector<1xf32>
      %squeeze3A = vector.extract %slice3A[0] : f32 from vector<1xf32>
      %slice3A_396 = vector.extract_strided_slice %add3A_395 {offsets = [0], sizes = [1], strides = [1]} : vector<16xf32> to vector<1xf32>
      %squeeze3A_397 = vector.extract %slice3A_396[0] : f32 from vector<1xf32>
      %mul3A_398 = arith.mulf %squeeze3A, %squeeze3A_397 : f32
      %slice3A_399 = vector.extract_strided_slice %add3A_395 {offsets = [1], sizes = [1], strides = [1]} : vector<16xf32> to vector<1xf32>
      %squeeze3A_400 = vector.extract %slice3A_399[0] : f32 from vector<1xf32>
      %slice3A_401 = vector.extract_strided_slice %add3A_395 {offsets = [1], sizes = [1], strides = [1]} : vector<16xf32> to vector<1xf32>
      %squeeze3A_402 = vector.extract %slice3A_401[0] : f32 from vector<1xf32>
      %mul3A_403 = arith.mulf %squeeze3A_400, %squeeze3A_402 : f32
      %add3A_404 = arith.addf %mul3A_398, %mul3A_403 : f32
      %slice3A_405 = vector.extract_strided_slice %add3A_395 {offsets = [2], sizes = [1], strides = [1]} : vector<16xf32> to vector<1xf32>
      %squeeze3A_406 = vector.extract %slice3A_405[0] : f32 from vector<1xf32>
      %slice3A_407 = vector.extract_strided_slice %add3A_395 {offsets = [2], sizes = [1], strides = [1]} : vector<16xf32> to vector<1xf32>
      %squeeze3A_408 = vector.extract %slice3A_407[0] : f32 from vector<1xf32>
      %mul3A_409 = arith.mulf %squeeze3A_406, %squeeze3A_408 : f32
      %add3A_410 = arith.addf %add3A_404, %mul3A_409 : f32
      %max3A = arith.constant 9.99999996E-13 : f32
      %max3A_411 = arith.maximumf %add3A_410, %max3A : f32
      %bitcast_convert_type3A = arith.bitcast %max3A_411 : f32 to i32
      %shift_right_logical3A = arith.constant 1 : i32
      %shift_right_logical3A_412 = arith.shrui %bitcast_convert_type3A, %shift_right_logical3A : i32
      %sub3A = arith.constant 1597463007 : i32
      %sub3A_413 = arith.subi %sub3A, %shift_right_logical3A_412 : i32
      %bitcast_convert_type3A_414 = arith.bitcast %sub3A_413 : i32 to f32
      %mul3A_415 = arith.constant 5.000000e-01 : f32
      %mul3A_416 = arith.mulf %mul3A_415, %max3A_411 : f32
      %mul3A_417 = arith.mulf %mul3A_416, %bitcast_convert_type3A_414 : f32
      %mul3A_418 = arith.mulf %mul3A_417, %bitcast_convert_type3A_414 : f32
      %sub3A_419 = arith.constant 1.500000e+00 : f32
      %sub3A_420 = arith.subf %sub3A_419, %mul3A_418 : f32
      %mul3A_421 = arith.mulf %bitcast_convert_type3A_414, %sub3A_420 : f32
      %mul3A_422 = arith.constant 5.000000e-01 : f32
      %mul3A_423 = arith.mulf %mul3A_422, %max3A_411 : f32
      %mul3A_424 = arith.mulf %mul3A_423, %mul3A_421 : f32
      %mul3A_425 = arith.mulf %mul3A_424, %mul3A_421 : f32
      %sub3A_426 = arith.constant 1.500000e+00 : f32
      %sub3A_427 = arith.subf %sub3A_426, %mul3A_425 : f32
      %mul3A_428 = arith.mulf %mul3A_421, %sub3A_427 : f32
      %mul3A_429 = arith.constant 5.000000e-01 : f32
      %mul3A_430 = arith.mulf %mul3A_429, %max3A_411 : f32
      %mul3A_431 = arith.mulf %mul3A_430, %mul3A_428 : f32
      %mul3A_432 = arith.mulf %mul3A_431, %mul3A_428 : f32
      %sub3A_433 = arith.constant 1.500000e+00 : f32
      %sub3A_434 = arith.subf %sub3A_433, %mul3A_432 : f32
      %mul3A_435 = arith.mulf %mul3A_428, %sub3A_434 : f32
      %mul3A_436 = vector.broadcast %mul3A_435 : f32 to vector<16xf32>
      %mul3A_437 = arith.mulf %add3A_395, %mul3A_436 : vector<16xf32>
      %mul3A_438 = arith.constant 2 : i32
      %mul3A_439 = arith.muli %mul3A_438, %scan3A_22 : i32
      %add3A_440 = arith.constant 0 : i32
      %add3A_441 = arith.addi %mul3A_439, %add3A_440 : i32
      %swap3A = arith.index_cast %add3A_441 : i32 to index
      %swap3A_442 = arith.constant 0 : index
      %swap3A_443 = tpu.vector_load %arg8[%swap3A, %swap3A_442] {strides = array<i32>} : memref<128x16xf32, #tpu.memory_space<vmem>>, vector<1x16xf32>,
      %swap3A_444 = vector.shape_cast %swap3A_443 : vector<1x16xf32> to vector<16xf32>
      %swap3A_445 = vector.shape_cast %mul3A_437 : vector<16xf32> to vector<1x16xf32>
      tpu.vector_store %arg8[%swap3A, %swap3A_442], %swap3A_445 {strides = array<i32>} : memref<128x16xf32, #tpu.memory_space<vmem>>, vector<1x16xf32>,
      %get3A_446 = arith.constant 50 : i32
      %get3A_447 = arith.index_cast %scan3A_22 : i32 to index
      %get3A_448 = arith.index_cast %get3A_446 : i32 to index
      %get3A_449 = arith.constant 0 : index
      %get3A_450 = tpu.vector_load %arg7[%get3A_447, %get3A_448, %get3A_449] {strides = array<i32>} : memref<64x100x16xf32, #tpu.memory_space<vmem>>, vector<1x1x16xf32>,
      %get3A_451 = vector.shape_cast %get3A_450 : vector<1x1x16xf32> to vector<16xf32>
      %get3A_452 = arith.constant 51 : i32
      %get3A_453 = arith.index_cast %scan3A_22 : i32 to index
      %get3A_454 = arith.index_cast %get3A_452 : i32 to index
      %get3A_455 = arith.constant 0 : index
      %get3A_456 = tpu.vector_load %arg7[%get3A_453, %get3A_454, %get3A_455] {strides = array<i32>} : memref<64x100x16xf32, #tpu.memory_space<vmem>>, vector<1x1x16xf32>,
      %get3A_457 = vector.shape_cast %get3A_456 : vector<1x1x16xf32> to vector<16xf32>
      %get3A_458 = arith.constant 52 : i32
      %get3A_459 = arith.index_cast %scan3A_22 : i32 to index
      %get3A_460 = arith.index_cast %get3A_458 : i32 to index
      %get3A_461 = arith.constant 0 : index
      %get3A_462 = tpu.vector_load %arg7[%get3A_459, %get3A_460, %get3A_461] {strides = array<i32>} : memref<64x100x16xf32, #tpu.memory_space<vmem>>, vector<1x1x16xf32>,
      %get3A_463 = vector.shape_cast %get3A_462 : vector<1x1x16xf32> to vector<16xf32>
      %get3A_464 = arith.constant 53 : i32
      %get3A_465 = arith.index_cast %scan3A_22 : i32 to index
      %get3A_466 = arith.index_cast %get3A_464 : i32 to index
      %get3A_467 = arith.constant 0 : index
      %get3A_468 = tpu.vector_load %arg7[%get3A_465, %get3A_466, %get3A_467] {strides = array<i32>} : memref<64x100x16xf32, #tpu.memory_space<vmem>>, vector<1x1x16xf32>,
      %get3A_469 = vector.shape_cast %get3A_468 : vector<1x1x16xf32> to vector<16xf32>
      %get3A_470 = arith.constant 54 : i32
      %get3A_471 = arith.index_cast %scan3A_22 : i32 to index
      %get3A_472 = arith.index_cast %get3A_470 : i32 to index
      %get3A_473 = arith.constant 0 : index
      %get3A_474 = tpu.vector_load %arg7[%get3A_471, %get3A_472, %get3A_473] {strides = array<i32>} : memref<64x100x16xf32, #tpu.memory_space<vmem>>, vector<1x1x16xf32>,
      %get3A_475 = vector.shape_cast %get3A_474 : vector<1x1x16xf32> to vector<16xf32>
      %add3A_476 = arith.addf %get3A_451, %get3A_475 : vector<16xf32>
      %get3A_477 = arith.constant 55 : i32
      %get3A_478 = arith.index_cast %scan3A_22 : i32 to index
      %get3A_479 = arith.index_cast %get3A_477 : i32 to index
      %get3A_480 = arith.constant 0 : index
      %get3A_481 = tpu.vector_load %arg7[%get3A_478, %get3A_479, %get3A_480] {strides = array<i32>} : memref<64x100x16xf32, #tpu.memory_space<vmem>>, vector<1x1x16xf32>,
      %get3A_482 = vector.shape_cast %get3A_481 : vector<1x1x16xf32> to vector<16xf32>
      %add3A_483 = arith.addf %get3A_457, %get3A_482 : vector<16xf32>
      %get3A_484 = arith.constant 56 : i32
      %get3A_485 = arith.index_cast %scan3A_22 : i32 to index
      %get3A_486 = arith.index_cast %get3A_484 : i32 to index
      %get3A_487 = arith.constant 0 : index
      %get3A_488 = tpu.vector_load %arg7[%get3A_485, %get3A_486, %get3A_487] {strides = array<i32>} : memref<64x100x16xf32, #tpu.memory_space<vmem>>, vector<1x1x16xf32>,
      %get3A_489 = vector.shape_cast %get3A_488 : vector<1x1x16xf32> to vector<16xf32>
      %add3A_490 = arith.addf %get3A_463, %get3A_489 : vector<16xf32>
      %get3A_491 = arith.constant 57 : i32
      %get3A_492 = arith.index_cast %scan3A_22 : i32 to index
      %get3A_493 = arith.index_cast %get3A_491 : i32 to index
      %get3A_494 = arith.constant 0 : index
      %get3A_495 = tpu.vector_load %arg7[%get3A_492, %get3A_493, %get3A_494] {strides = array<i32>} : memref<64x100x16xf32, #tpu.memory_space<vmem>>, vector<1x1x16xf32>,
      %get3A_496 = vector.shape_cast %get3A_495 : vector<1x1x16xf32> to vector<16xf32>
      %add3A_497 = arith.addf %get3A_469, %get3A_496 : vector<16xf32>
      %get3A_498 = arith.constant 58 : i32
      %get3A_499 = arith.index_cast %scan3A_22 : i32 to index
      %get3A_500 = arith.index_cast %get3A_498 : i32 to index
      %get3A_501 = arith.constant 0 : index
      %get3A_502 = tpu.vector_load %arg7[%get3A_499, %get3A_500, %get3A_501] {strides = array<i32>} : memref<64x100x16xf32, #tpu.memory_space<vmem>>, vector<1x1x16xf32>,
      %get3A_503 = vector.shape_cast %get3A_502 : vector<1x1x16xf32> to vector<16xf32>
      %add3A_504 = arith.addf %add3A_476, %get3A_503 : vector<16xf32>
      %get3A_505 = arith.constant 59 : i32
      %get3A_506 = arith.index_cast %scan3A_22 : i32 to index
      %get3A_507 = arith.index_cast %get3A_505 : i32 to index
      %get3A_508 = arith.constant 0 : index
      %get3A_509 = tpu.vector_load %arg7[%get3A_506, %get3A_507, %get3A_508] {strides = array<i32>} : memref<64x100x16xf32, #tpu.memory_space<vmem>>, vector<1x1x16xf32>,
      %get3A_510 = vector.shape_cast %get3A_509 : vector<1x1x16xf32> to vector<16xf32>
      %add3A_511 = arith.addf %add3A_483, %get3A_510 : vector<16xf32>
      %get3A_512 = arith.constant 60 : i32
      %get3A_513 = arith.index_cast %scan3A_22 : i32 to index
      %get3A_514 = arith.index_cast %get3A_512 : i32 to index
      %get3A_515 = arith.constant 0 : index
      %get3A_516 = tpu.vector_load %arg7[%get3A_513, %get3A_514, %get3A_515] {strides = array<i32>} : memref<64x100x16xf32, #tpu.memory_space<vmem>>, vector<1x1x16xf32>,
      %get3A_517 = vector.shape_cast %get3A_516 : vector<1x1x16xf32> to vector<16xf32>
      %add3A_518 = arith.addf %add3A_490, %get3A_517 : vector<16xf32>
      %get3A_519 = arith.constant 61 : i32
      %get3A_520 = arith.index_cast %scan3A_22 : i32 to index
      %get3A_521 = arith.index_cast %get3A_519 : i32 to index
      %get3A_522 = arith.constant 0 : index
      %get3A_523 = tpu.vector_load %arg7[%get3A_520, %get3A_521, %get3A_522] {strides = array<i32>} : memref<64x100x16xf32, #tpu.memory_space<vmem>>, vector<1x1x16xf32>,
      %get3A_524 = vector.shape_cast %get3A_523 : vector<1x1x16xf32> to vector<16xf32>
      %add3A_525 = arith.addf %add3A_497, %get3A_524 : vector<16xf32>
      %get3A_526 = arith.constant 62 : i32
      %get3A_527 = arith.index_cast %scan3A_22 : i32 to index
      %get3A_528 = arith.index_cast %get3A_526 : i32 to index
      %get3A_529 = arith.constant 0 : index
      %get3A_530 = tpu.vector_load %arg7[%get3A_527, %get3A_528, %get3A_529] {strides = array<i32>} : memref<64x100x16xf32, #tpu.memory_space<vmem>>, vector<1x1x16xf32>,
      %get3A_531 = vector.shape_cast %get3A_530 : vector<1x1x16xf32> to vector<16xf32>
      %add3A_532 = arith.addf %add3A_504, %get3A_531 : vector<16xf32>
      %get3A_533 = arith.constant 63 : i32
      %get3A_534 = arith.index_cast %scan3A_22 : i32 to index
      %get3A_535 = arith.index_cast %get3A_533 : i32 to index
      %get3A_536 = arith.constant 0 : index
      %get3A_537 = tpu.vector_load %arg7[%get3A_534, %get3A_535, %get3A_536] {strides = array<i32>} : memref<64x100x16xf32, #tpu.memory_space<vmem>>, vector<1x1x16xf32>,
      %get3A_538 = vector.shape_cast %get3A_537 : vector<1x1x16xf32> to vector<16xf32>
      %add3A_539 = arith.addf %add3A_511, %get3A_538 : vector<16xf32>
      %get3A_540 = arith.constant 64 : i32
      %get3A_541 = arith.index_cast %scan3A_22 : i32 to index
      %get3A_542 = arith.index_cast %get3A_540 : i32 to index
      %get3A_543 = arith.constant 0 : index
      %get3A_544 = tpu.vector_load %arg7[%get3A_541, %get3A_542, %get3A_543] {strides = array<i32>} : memref<64x100x16xf32, #tpu.memory_space<vmem>>, vector<1x1x16xf32>,
      %get3A_545 = vector.shape_cast %get3A_544 : vector<1x1x16xf32> to vector<16xf32>
      %add3A_546 = arith.addf %add3A_518, %get3A_545 : vector<16xf32>
      %get3A_547 = arith.constant 65 : i32
      %get3A_548 = arith.index_cast %scan3A_22 : i32 to index
      %get3A_549 = arith.index_cast %get3A_547 : i32 to index
      %get3A_550 = arith.constant 0 : index
      %get3A_551 = tpu.vector_load %arg7[%get3A_548, %get3A_549, %get3A_550] {strides = array<i32>} : memref<64x100x16xf32, #tpu.memory_space<vmem>>, vector<1x1x16xf32>,
      %get3A_552 = vector.shape_cast %get3A_551 : vector<1x1x16xf32> to vector<16xf32>
      %add3A_553 = arith.addf %add3A_525, %get3A_552 : vector<16xf32>
      %get3A_554 = arith.constant 66 : i32
      %get3A_555 = arith.index_cast %scan3A_22 : i32 to index
      %get3A_556 = arith.index_cast %get3A_554 : i32 to index
      %get3A_557 = arith.constant 0 : index
      %get3A_558 = tpu.vector_load %arg7[%get3A_555, %get3A_556, %get3A_557] {strides = array<i32>} : memref<64x100x16xf32, #tpu.memory_space<vmem>>, vector<1x1x16xf32>,
      %get3A_559 = vector.shape_cast %get3A_558 : vector<1x1x16xf32> to vector<16xf32>
      %add3A_560 = arith.addf %add3A_532, %get3A_559 : vector<16xf32>
      %get3A_561 = arith.constant 67 : i32
      %get3A_562 = arith.index_cast %scan3A_22 : i32 to index
      %get3A_563 = arith.index_cast %get3A_561 : i32 to index
      %get3A_564 = arith.constant 0 : index
      %get3A_565 = tpu.vector_load %arg7[%get3A_562, %get3A_563, %get3A_564] {strides = array<i32>} : memref<64x100x16xf32, #tpu.memory_space<vmem>>, vector<1x1x16xf32>,
      %get3A_566 = vector.shape_cast %get3A_565 : vector<1x1x16xf32> to vector<16xf32>
      %add3A_567 = arith.addf %add3A_539, %get3A_566 : vector<16xf32>
      %get3A_568 = arith.constant 68 : i32
      %get3A_569 = arith.index_cast %scan3A_22 : i32 to index
      %get3A_570 = arith.index_cast %get3A_568 : i32 to index
      %get3A_571 = arith.constant 0 : index
      %get3A_572 = tpu.vector_load %arg7[%get3A_569, %get3A_570, %get3A_571] {strides = array<i32>} : memref<64x100x16xf32, #tpu.memory_space<vmem>>, vector<1x1x16xf32>,
      %get3A_573 = vector.shape_cast %get3A_572 : vector<1x1x16xf32> to vector<16xf32>
      %add3A_574 = arith.addf %add3A_546, %get3A_573 : vector<16xf32>
      %get3A_575 = arith.constant 69 : i32
      %get3A_576 = arith.index_cast %scan3A_22 : i32 to index
      %get3A_577 = arith.index_cast %get3A_575 : i32 to index
      %get3A_578 = arith.constant 0 : index
      %get3A_579 = tpu.vector_load %arg7[%get3A_576, %get3A_577, %get3A_578] {strides = array<i32>} : memref<64x100x16xf32, #tpu.memory_space<vmem>>, vector<1x1x16xf32>,
      %get3A_580 = vector.shape_cast %get3A_579 : vector<1x1x16xf32> to vector<16xf32>
      %add3A_581 = arith.addf %add3A_553, %get3A_580 : vector<16xf32>
      %get3A_582 = arith.constant 70 : i32
      %get3A_583 = arith.index_cast %scan3A_22 : i32 to index
      %get3A_584 = arith.index_cast %get3A_582 : i32 to index
      %get3A_585 = arith.constant 0 : index
      %get3A_586 = tpu.vector_load %arg7[%get3A_583, %get3A_584, %get3A_585] {strides = array<i32>} : memref<64x100x16xf32, #tpu.memory_space<vmem>>, vector<1x1x16xf32>,
      %get3A_587 = vector.shape_cast %get3A_586 : vector<1x1x16xf32> to vector<16xf32>
      %add3A_588 = arith.addf %add3A_560, %get3A_587 : vector<16xf32>
      %get3A_589 = arith.constant 71 : i32
      %get3A_590 = arith.index_cast %scan3A_22 : i32 to index
      %get3A_591 = arith.index_cast %get3A_589 : i32 to index
      %get3A_592 = arith.constant 0 : index
      %get3A_593 = tpu.vector_load %arg7[%get3A_590, %get3A_591, %get3A_592] {strides = array<i32>} : memref<64x100x16xf32, #tpu.memory_space<vmem>>, vector<1x1x16xf32>,
      %get3A_594 = vector.shape_cast %get3A_593 : vector<1x1x16xf32> to vector<16xf32>
      %add3A_595 = arith.addf %add3A_567, %get3A_594 : vector<16xf32>
      %get3A_596 = arith.constant 72 : i32
      %get3A_597 = arith.index_cast %scan3A_22 : i32 to index
      %get3A_598 = arith.index_cast %get3A_596 : i32 to index
      %get3A_599 = arith.constant 0 : index
      %get3A_600 = tpu.vector_load %arg7[%get3A_597, %get3A_598, %get3A_599] {strides = array<i32>} : memref<64x100x16xf32, #tpu.memory_space<vmem>>, vector<1x1x16xf32>,
      %get3A_601 = vector.shape_cast %get3A_600 : vector<1x1x16xf32> to vector<16xf32>
      %add3A_602 = arith.addf %add3A_574, %get3A_601 : vector<16xf32>
      %get3A_603 = arith.constant 73 : i32
      %get3A_604 = arith.index_cast %scan3A_22 : i32 to index
      %get3A_605 = arith.index_cast %get3A_603 : i32 to index
      %get3A_606 = arith.constant 0 : index
      %get3A_607 = tpu.vector_load %arg7[%get3A_604, %get3A_605, %get3A_606] {strides = array<i32>} : memref<64x100x16xf32, #tpu.memory_space<vmem>>, vector<1x1x16xf32>,
      %get3A_608 = vector.shape_cast %get3A_607 : vector<1x1x16xf32> to vector<16xf32>
      %add3A_609 = arith.addf %add3A_581, %get3A_608 : vector<16xf32>
      %get3A_610 = arith.constant 74 : i32
      %get3A_611 = arith.index_cast %scan3A_22 : i32 to index
      %get3A_612 = arith.index_cast %get3A_610 : i32 to index
      %get3A_613 = arith.constant 0 : index
      %get3A_614 = tpu.vector_load %arg7[%get3A_611, %get3A_612, %get3A_613] {strides = array<i32>} : memref<64x100x16xf32, #tpu.memory_space<vmem>>, vector<1x1x16xf32>,
      %get3A_615 = vector.shape_cast %get3A_614 : vector<1x1x16xf32> to vector<16xf32>
      %add3A_616 = arith.addf %add3A_588, %get3A_615 : vector<16xf32>
      %get3A_617 = arith.constant 75 : i32
      %get3A_618 = arith.index_cast %scan3A_22 : i32 to index
      %get3A_619 = arith.index_cast %get3A_617 : i32 to index
      %get3A_620 = arith.constant 0 : index
      %get3A_621 = tpu.vector_load %arg7[%get3A_618, %get3A_619, %get3A_620] {strides = array<i32>} : memref<64x100x16xf32, #tpu.memory_space<vmem>>, vector<1x1x16xf32>,
      %get3A_622 = vector.shape_cast %get3A_621 : vector<1x1x16xf32> to vector<16xf32>
      %add3A_623 = arith.addf %add3A_595, %get3A_622 : vector<16xf32>
      %get3A_624 = arith.constant 76 : i32
      %get3A_625 = arith.index_cast %scan3A_22 : i32 to index
      %get3A_626 = arith.index_cast %get3A_624 : i32 to index
      %get3A_627 = arith.constant 0 : index
      %get3A_628 = tpu.vector_load %arg7[%get3A_625, %get3A_626, %get3A_627] {strides = array<i32>} : memref<64x100x16xf32, #tpu.memory_space<vmem>>, vector<1x1x16xf32>,
      %get3A_629 = vector.shape_cast %get3A_628 : vector<1x1x16xf32> to vector<16xf32>
      %add3A_630 = arith.addf %add3A_602, %get3A_629 : vector<16xf32>
      %get3A_631 = arith.constant 77 : i32
      %get3A_632 = arith.index_cast %scan3A_22 : i32 to index
      %get3A_633 = arith.index_cast %get3A_631 : i32 to index
      %get3A_634 = arith.constant 0 : index
      %get3A_635 = tpu.vector_load %arg7[%get3A_632, %get3A_633, %get3A_634] {strides = array<i32>} : memref<64x100x16xf32, #tpu.memory_space<vmem>>, vector<1x1x16xf32>,
      %get3A_636 = vector.shape_cast %get3A_635 : vector<1x1x16xf32> to vector<16xf32>
      %add3A_637 = arith.addf %add3A_609, %get3A_636 : vector<16xf32>
      %get3A_638 = arith.constant 78 : i32
      %get3A_639 = arith.index_cast %scan3A_22 : i32 to index
      %get3A_640 = arith.index_cast %get3A_638 : i32 to index
      %get3A_641 = arith.constant 0 : index
      %get3A_642 = tpu.vector_load %arg7[%get3A_639, %get3A_640, %get3A_641] {strides = array<i32>} : memref<64x100x16xf32, #tpu.memory_space<vmem>>, vector<1x1x16xf32>,
      %get3A_643 = vector.shape_cast %get3A_642 : vector<1x1x16xf32> to vector<16xf32>
      %add3A_644 = arith.addf %add3A_616, %get3A_643 : vector<16xf32>
      %get3A_645 = arith.constant 79 : i32
      %get3A_646 = arith.index_cast %scan3A_22 : i32 to index
      %get3A_647 = arith.index_cast %get3A_645 : i32 to index
      %get3A_648 = arith.constant 0 : index
      %get3A_649 = tpu.vector_load %arg7[%get3A_646, %get3A_647, %get3A_648] {strides = array<i32>} : memref<64x100x16xf32, #tpu.memory_space<vmem>>, vector<1x1x16xf32>,
      %get3A_650 = vector.shape_cast %get3A_649 : vector<1x1x16xf32> to vector<16xf32>
      %add3A_651 = arith.addf %add3A_623, %get3A_650 : vector<16xf32>
      %get3A_652 = arith.constant 80 : i32
      %get3A_653 = arith.index_cast %scan3A_22 : i32 to index
      %get3A_654 = arith.index_cast %get3A_652 : i32 to index
      %get3A_655 = arith.constant 0 : index
      %get3A_656 = tpu.vector_load %arg7[%get3A_653, %get3A_654, %get3A_655] {strides = array<i32>} : memref<64x100x16xf32, #tpu.memory_space<vmem>>, vector<1x1x16xf32>,
      %get3A_657 = vector.shape_cast %get3A_656 : vector<1x1x16xf32> to vector<16xf32>
      %add3A_658 = arith.addf %add3A_630, %get3A_657 : vector<16xf32>
      %get3A_659 = arith.constant 81 : i32
      %get3A_660 = arith.index_cast %scan3A_22 : i32 to index
      %get3A_661 = arith.index_cast %get3A_659 : i32 to index
      %get3A_662 = arith.constant 0 : index
      %get3A_663 = tpu.vector_load %arg7[%get3A_660, %get3A_661, %get3A_662] {strides = array<i32>} : memref<64x100x16xf32, #tpu.memory_space<vmem>>, vector<1x1x16xf32>,
      %get3A_664 = vector.shape_cast %get3A_663 : vector<1x1x16xf32> to vector<16xf32>
      %add3A_665 = arith.addf %add3A_637, %get3A_664 : vector<16xf32>
      %get3A_666 = arith.constant 82 : i32
      %get3A_667 = arith.index_cast %scan3A_22 : i32 to index
      %get3A_668 = arith.index_cast %get3A_666 : i32 to index
      %get3A_669 = arith.constant 0 : index
      %get3A_670 = tpu.vector_load %arg7[%get3A_667, %get3A_668, %get3A_669] {strides = array<i32>} : memref<64x100x16xf32, #tpu.memory_space<vmem>>, vector<1x1x16xf32>,
      %get3A_671 = vector.shape_cast %get3A_670 : vector<1x1x16xf32> to vector<16xf32>
      %add3A_672 = arith.addf %add3A_644, %get3A_671 : vector<16xf32>
      %get3A_673 = arith.constant 83 : i32
      %get3A_674 = arith.index_cast %scan3A_22 : i32 to index
      %get3A_675 = arith.index_cast %get3A_673 : i32 to index
      %get3A_676 = arith.constant 0 : index
      %get3A_677 = tpu.vector_load %arg7[%get3A_674, %get3A_675, %get3A_676] {strides = array<i32>} : memref<64x100x16xf32, #tpu.memory_space<vmem>>, vector<1x1x16xf32>,
      %get3A_678 = vector.shape_cast %get3A_677 : vector<1x1x16xf32> to vector<16xf32>
      %add3A_679 = arith.addf %add3A_651, %get3A_678 : vector<16xf32>
      %get3A_680 = arith.constant 84 : i32
      %get3A_681 = arith.index_cast %scan3A_22 : i32 to index
      %get3A_682 = arith.index_cast %get3A_680 : i32 to index
      %get3A_683 = arith.constant 0 : index
      %get3A_684 = tpu.vector_load %arg7[%get3A_681, %get3A_682, %get3A_683] {strides = array<i32>} : memref<64x100x16xf32, #tpu.memory_space<vmem>>, vector<1x1x16xf32>,
      %get3A_685 = vector.shape_cast %get3A_684 : vector<1x1x16xf32> to vector<16xf32>
      %add3A_686 = arith.addf %add3A_658, %get3A_685 : vector<16xf32>
      %get3A_687 = arith.constant 85 : i32
      %get3A_688 = arith.index_cast %scan3A_22 : i32 to index
      %get3A_689 = arith.index_cast %get3A_687 : i32 to index
      %get3A_690 = arith.constant 0 : index
      %get3A_691 = tpu.vector_load %arg7[%get3A_688, %get3A_689, %get3A_690] {strides = array<i32>} : memref<64x100x16xf32, #tpu.memory_space<vmem>>, vector<1x1x16xf32>,
      %get3A_692 = vector.shape_cast %get3A_691 : vector<1x1x16xf32> to vector<16xf32>
      %add3A_693 = arith.addf %add3A_665, %get3A_692 : vector<16xf32>
      %get3A_694 = arith.constant 86 : i32
      %get3A_695 = arith.index_cast %scan3A_22 : i32 to index
      %get3A_696 = arith.index_cast %get3A_694 : i32 to index
      %get3A_697 = arith.constant 0 : index
      %get3A_698 = tpu.vector_load %arg7[%get3A_695, %get3A_696, %get3A_697] {strides = array<i32>} : memref<64x100x16xf32, #tpu.memory_space<vmem>>, vector<1x1x16xf32>,
      %get3A_699 = vector.shape_cast %get3A_698 : vector<1x1x16xf32> to vector<16xf32>
      %add3A_700 = arith.addf %add3A_672, %get3A_699 : vector<16xf32>
      %get3A_701 = arith.constant 87 : i32
      %get3A_702 = arith.index_cast %scan3A_22 : i32 to index
      %get3A_703 = arith.index_cast %get3A_701 : i32 to index
      %get3A_704 = arith.constant 0 : index
      %get3A_705 = tpu.vector_load %arg7[%get3A_702, %get3A_703, %get3A_704] {strides = array<i32>} : memref<64x100x16xf32, #tpu.memory_space<vmem>>, vector<1x1x16xf32>,
      %get3A_706 = vector.shape_cast %get3A_705 : vector<1x1x16xf32> to vector<16xf32>
      %add3A_707 = arith.addf %add3A_679, %get3A_706 : vector<16xf32>
      %get3A_708 = arith.constant 88 : i32
      %get3A_709 = arith.index_cast %scan3A_22 : i32 to index
      %get3A_710 = arith.index_cast %get3A_708 : i32 to index
      %get3A_711 = arith.constant 0 : index
      %get3A_712 = tpu.vector_load %arg7[%get3A_709, %get3A_710, %get3A_711] {strides = array<i32>} : memref<64x100x16xf32, #tpu.memory_space<vmem>>, vector<1x1x16xf32>,
      %get3A_713 = vector.shape_cast %get3A_712 : vector<1x1x16xf32> to vector<16xf32>
      %add3A_714 = arith.addf %add3A_686, %get3A_713 : vector<16xf32>
      %get3A_715 = arith.constant 89 : i32
      %get3A_716 = arith.index_cast %scan3A_22 : i32 to index
      %get3A_717 = arith.index_cast %get3A_715 : i32 to index
      %get3A_718 = arith.constant 0 : index
      %get3A_719 = tpu.vector_load %arg7[%get3A_716, %get3A_717, %get3A_718] {strides = array<i32>} : memref<64x100x16xf32, #tpu.memory_space<vmem>>, vector<1x1x16xf32>,
      %get3A_720 = vector.shape_cast %get3A_719 : vector<1x1x16xf32> to vector<16xf32>
      %add3A_721 = arith.addf %add3A_693, %get3A_720 : vector<16xf32>
      %get3A_722 = arith.constant 90 : i32
      %get3A_723 = arith.index_cast %scan3A_22 : i32 to index
      %get3A_724 = arith.index_cast %get3A_722 : i32 to index
      %get3A_725 = arith.constant 0 : index
      %get3A_726 = tpu.vector_load %arg7[%get3A_723, %get3A_724, %get3A_725] {strides = array<i32>} : memref<64x100x16xf32, #tpu.memory_space<vmem>>, vector<1x1x16xf32>,
      %get3A_727 = vector.shape_cast %get3A_726 : vector<1x1x16xf32> to vector<16xf32>
      %add3A_728 = arith.addf %add3A_700, %get3A_727 : vector<16xf32>
      %get3A_729 = arith.constant 91 : i32
      %get3A_730 = arith.index_cast %scan3A_22 : i32 to index
      %get3A_731 = arith.index_cast %get3A_729 : i32 to index
      %get3A_732 = arith.constant 0 : index
      %get3A_733 = tpu.vector_load %arg7[%get3A_730, %get3A_731, %get3A_732] {strides = array<i32>} : memref<64x100x16xf32, #tpu.memory_space<vmem>>, vector<1x1x16xf32>,
      %get3A_734 = vector.shape_cast %get3A_733 : vector<1x1x16xf32> to vector<16xf32>
      %add3A_735 = arith.addf %add3A_707, %get3A_734 : vector<16xf32>
      %get3A_736 = arith.constant 92 : i32
      %get3A_737 = arith.index_cast %scan3A_22 : i32 to index
      %get3A_738 = arith.index_cast %get3A_736 : i32 to index
      %get3A_739 = arith.constant 0 : index
      %get3A_740 = tpu.vector_load %arg7[%get3A_737, %get3A_738, %get3A_739] {strides = array<i32>} : memref<64x100x16xf32, #tpu.memory_space<vmem>>, vector<1x1x16xf32>,
      %get3A_741 = vector.shape_cast %get3A_740 : vector<1x1x16xf32> to vector<16xf32>
      %add3A_742 = arith.addf %add3A_714, %get3A_741 : vector<16xf32>
      %get3A_743 = arith.constant 93 : i32
      %get3A_744 = arith.index_cast %scan3A_22 : i32 to index
      %get3A_745 = arith.index_cast %get3A_743 : i32 to index
      %get3A_746 = arith.constant 0 : index
      %get3A_747 = tpu.vector_load %arg7[%get3A_744, %get3A_745, %get3A_746] {strides = array<i32>} : memref<64x100x16xf32, #tpu.memory_space<vmem>>, vector<1x1x16xf32>,
      %get3A_748 = vector.shape_cast %get3A_747 : vector<1x1x16xf32> to vector<16xf32>
      %add3A_749 = arith.addf %add3A_721, %get3A_748 : vector<16xf32>
      %get3A_750 = arith.constant 94 : i32
      %get3A_751 = arith.index_cast %scan3A_22 : i32 to index
      %get3A_752 = arith.index_cast %get3A_750 : i32 to index
      %get3A_753 = arith.constant 0 : index
      %get3A_754 = tpu.vector_load %arg7[%get3A_751, %get3A_752, %get3A_753] {strides = array<i32>} : memref<64x100x16xf32, #tpu.memory_space<vmem>>, vector<1x1x16xf32>,
      %get3A_755 = vector.shape_cast %get3A_754 : vector<1x1x16xf32> to vector<16xf32>
      %add3A_756 = arith.addf %add3A_728, %get3A_755 : vector<16xf32>
      %get3A_757 = arith.constant 95 : i32
      %get3A_758 = arith.index_cast %scan3A_22 : i32 to index
      %get3A_759 = arith.index_cast %get3A_757 : i32 to index
      %get3A_760 = arith.constant 0 : index
      %get3A_761 = tpu.vector_load %arg7[%get3A_758, %get3A_759, %get3A_760] {strides = array<i32>} : memref<64x100x16xf32, #tpu.memory_space<vmem>>, vector<1x1x16xf32>,
      %get3A_762 = vector.shape_cast %get3A_761 : vector<1x1x16xf32> to vector<16xf32>
      %add3A_763 = arith.addf %add3A_735, %get3A_762 : vector<16xf32>
      %get3A_764 = arith.constant 96 : i32
      %get3A_765 = arith.index_cast %scan3A_22 : i32 to index
      %get3A_766 = arith.index_cast %get3A_764 : i32 to index
      %get3A_767 = arith.constant 0 : index
      %get3A_768 = tpu.vector_load %arg7[%get3A_765, %get3A_766, %get3A_767] {strides = array<i32>} : memref<64x100x16xf32, #tpu.memory_space<vmem>>, vector<1x1x16xf32>,
      %get3A_769 = vector.shape_cast %get3A_768 : vector<1x1x16xf32> to vector<16xf32>
      %add3A_770 = arith.addf %add3A_742, %get3A_769 : vector<16xf32>
      %get3A_771 = arith.constant 97 : i32
      %get3A_772 = arith.index_cast %scan3A_22 : i32 to index
      %get3A_773 = arith.index_cast %get3A_771 : i32 to index
      %get3A_774 = arith.constant 0 : index
      %get3A_775 = tpu.vector_load %arg7[%get3A_772, %get3A_773, %get3A_774] {strides = array<i32>} : memref<64x100x16xf32, #tpu.memory_space<vmem>>, vector<1x1x16xf32>,
      %get3A_776 = vector.shape_cast %get3A_775 : vector<1x1x16xf32> to vector<16xf32>
      %add3A_777 = arith.addf %add3A_749, %get3A_776 : vector<16xf32>
      %get3A_778 = arith.constant 98 : i32
      %get3A_779 = arith.index_cast %scan3A_22 : i32 to index
      %get3A_780 = arith.index_cast %get3A_778 : i32 to index
      %get3A_781 = arith.constant 0 : index
      %get3A_782 = tpu.vector_load %arg7[%get3A_779, %get3A_780, %get3A_781] {strides = array<i32>} : memref<64x100x16xf32, #tpu.memory_space<vmem>>, vector<1x1x16xf32>,
      %get3A_783 = vector.shape_cast %get3A_782 : vector<1x1x16xf32> to vector<16xf32>
      %add3A_784 = arith.addf %add3A_756, %get3A_783 : vector<16xf32>
      %get3A_785 = arith.constant 99 : i32
      %get3A_786 = arith.index_cast %scan3A_22 : i32 to index
      %get3A_787 = arith.index_cast %get3A_785 : i32 to index
      %get3A_788 = arith.constant 0 : index
      %get3A_789 = tpu.vector_load %arg7[%get3A_786, %get3A_787, %get3A_788] {strides = array<i32>} : memref<64x100x16xf32, #tpu.memory_space<vmem>>, vector<1x1x16xf32>,
      %get3A_790 = vector.shape_cast %get3A_789 : vector<1x1x16xf32> to vector<16xf32>
      %add3A_791 = arith.addf %add3A_763, %get3A_790 : vector<16xf32>
      %add3A_792 = arith.addf %add3A_784, %add3A_791 : vector<16xf32>
      %add3A_793 = arith.addf %add3A_770, %add3A_777 : vector<16xf32>
      %add3A_794 = arith.addf %add3A_792, %add3A_793 : vector<16xf32>
      %mul3A_795 = arith.constant 2.000000e-02 : f32
      %mul3A_796 = vector.broadcast %mul3A_795 : f32 to vector<16xf32>
      %mul3A_797 = arith.mulf %add3A_794, %mul3A_796 : vector<16xf32>
      %add3A_798 = arith.addf %mul3A_797, %get3A_2 : vector<16xf32>
      %slice3A_799 = vector.extract_strided_slice %add3A_798 {offsets = [0], sizes = [1], strides = [1]} : vector<16xf32> to vector<1xf32>
      %squeeze3A_800 = vector.extract %slice3A_799[0] : f32 from vector<1xf32>
      %slice3A_801 = vector.extract_strided_slice %add3A_798 {offsets = [0], sizes = [1], strides = [1]} : vector<16xf32> to vector<1xf32>
      %squeeze3A_802 = vector.extract %slice3A_801[0] : f32 from vector<1xf32>
      %mul3A_803 = arith.mulf %squeeze3A_800, %squeeze3A_802 : f32
      %slice3A_804 = vector.extract_strided_slice %add3A_798 {offsets = [1], sizes = [1], strides = [1]} : vector<16xf32> to vector<1xf32>
      %squeeze3A_805 = vector.extract %slice3A_804[0] : f32 from vector<1xf32>
      %slice3A_806 = vector.extract_strided_slice %add3A_798 {offsets = [1], sizes = [1], strides = [1]} : vector<16xf32> to vector<1xf32>
      %squeeze3A_807 = vector.extract %slice3A_806[0] : f32 from vector<1xf32>
      %mul3A_808 = arith.mulf %squeeze3A_805, %squeeze3A_807 : f32
      %add3A_809 = arith.addf %mul3A_803, %mul3A_808 : f32
      %slice3A_810 = vector.extract_strided_slice %add3A_798 {offsets = [2], sizes = [1], strides = [1]} : vector<16xf32> to vector<1xf32>
      %squeeze3A_811 = vector.extract %slice3A_810[0] : f32 from vector<1xf32>
      %slice3A_812 = vector.extract_strided_slice %add3A_798 {offsets = [2], sizes = [1], strides = [1]} : vector<16xf32> to vector<1xf32>
      %squeeze3A_813 = vector.extract %slice3A_812[0] : f32 from vector<1xf32>
      %mul3A_814 = arith.mulf %squeeze3A_811, %squeeze3A_813 : f32
      %add3A_815 = arith.addf %add3A_809, %mul3A_814 : f32
      %max3A_816 = arith.constant 9.99999996E-13 : f32
      %max3A_817 = arith.maximumf %add3A_815, %max3A_816 : f32
      %bitcast_convert_type3A_818 = arith.bitcast %max3A_817 : f32 to i32
      %shift_right_logical3A_819 = arith.constant 1 : i32
      %shift_right_logical3A_820 = arith.shrui %bitcast_convert_type3A_818, %shift_right_logical3A_819 : i32
      %sub3A_821 = arith.constant 1597463007 : i32
      %sub3A_822 = arith.subi %sub3A_821, %shift_right_logical3A_820 : i32
      %bitcast_convert_type3A_823 = arith.bitcast %sub3A_822 : i32 to f32
      %mul3A_824 = arith.constant 5.000000e-01 : f32
      %mul3A_825 = arith.mulf %mul3A_824, %max3A_817 : f32
      %mul3A_826 = arith.mulf %mul3A_825, %bitcast_convert_type3A_823 : f32
      %mul3A_827 = arith.mulf %mul3A_826, %bitcast_convert_type3A_823 : f32
      %sub3A_828 = arith.constant 1.500000e+00 : f32
      %sub3A_829 = arith.subf %sub3A_828, %mul3A_827 : f32
      %mul3A_830 = arith.mulf %bitcast_convert_type3A_823, %sub3A_829 : f32
      %mul3A_831 = arith.constant 5.000000e-01 : f32
      %mul3A_832 = arith.mulf %mul3A_831, %max3A_817 : f32
      %mul3A_833 = arith.mulf %mul3A_832, %mul3A_830 : f32
      %mul3A_834 = arith.mulf %mul3A_833, %mul3A_830 : f32
      %sub3A_835 = arith.constant 1.500000e+00 : f32
      %sub3A_836 = arith.subf %sub3A_835, %mul3A_834 : f32
      %mul3A_837 = arith.mulf %mul3A_830, %sub3A_836 : f32
      %mul3A_838 = arith.constant 5.000000e-01 : f32
      %mul3A_839 = arith.mulf %mul3A_838, %max3A_817 : f32
      %mul3A_840 = arith.mulf %mul3A_839, %mul3A_837 : f32
      %mul3A_841 = arith.mulf %mul3A_840, %mul3A_837 : f32
      %sub3A_842 = arith.constant 1.500000e+00 : f32
      %sub3A_843 = arith.subf %sub3A_842, %mul3A_841 : f32
      %mul3A_844 = arith.mulf %mul3A_837, %sub3A_843 : f32
      %mul3A_845 = vector.broadcast %mul3A_844 : f32 to vector<16xf32>
      %mul3A_846 = arith.mulf %add3A_798, %mul3A_845 : vector<16xf32>
      %mul3A_847 = arith.constant 2 : i32
      %mul3A_848 = arith.muli %mul3A_847, %scan3A_22 : i32
      %add3A_849 = arith.constant 1 : i32
      %add3A_850 = arith.addi %mul3A_848, %add3A_849 : i32
      %swap3A_851 = arith.index_cast %add3A_850 : i32 to index
      %swap3A_852 = arith.constant 0 : index
      %swap3A_853 = tpu.vector_load %arg8[%swap3A_851, %swap3A_852] {strides = array<i32>} : memref<128x16xf32, #tpu.memory_space<vmem>>, vector<1x16xf32>,
      %swap3A_854 = vector.shape_cast %swap3A_853 : vector<1x16xf32> to vector<16xf32>
      %swap3A_855 = vector.shape_cast %mul3A_846 : vector<16xf32> to vector<1x16xf32>
      tpu.vector_store %arg8[%swap3A_851, %swap3A_852], %swap3A_855 {strides = array<i32>} : memref<128x16xf32, #tpu.memory_space<vmem>>, vector<1x16xf32>,
    }
    %scan3A_13 = arith.constant 40 : i32
    %scan3A_14 = arith.constant 0 : i32
    %scan3A_15 = arith.constant 40 : i32
    %scan3A_16 = arith.constant 24 : i32
    %scan3A_17 = arith.addi %scan3A_15, %scan3A_16 : i32
    %scan3A_18 = arith.constant 1 : i32
    scf.for %scan3A_22 = %scan3A_15 to %scan3A_17 step %scan3A_18  : i32 {
      %dma_wait3A = arith.constant 0 : i32
      %dma_wait3A_23 = arith.constant 0 : i32
      %dma_wait3A_24 = tpu.memref_slice %arg7[%scan3A_22, %dma_wait3A, %dma_wait3A_23] : memref<64x100x16xf32, #tpu.memory_space<vmem>> -> memref<1x100x16xf32, #tpu.memory_space<vmem>>
      %dma_wait3A_25 = tpu.memref_squeeze %dma_wait3A_24 : memref<1x100x16xf32, #tpu.memory_space<vmem>> -> memref<100x16xf32, #tpu.memory_space<vmem>>
      %dma_wait3A_26 = arith.constant 0 : i32
      %dma_wait3A_27 = tpu.memref_slice %arg6[%scan3A_22, %dma_wait3A_26] : memref<64x100xi32, #tpu.memory_space<vmem>> -> memref<1x100xi32, #tpu.memory_space<vmem>>
      %dma_wait3A_28 = tpu.memref_squeeze %dma_wait3A_27 : memref<1x100xi32, #tpu.memory_space<vmem>> -> memref<100xi32, #tpu.memory_space<vmem>>
      %dma_wait3A_29 = arith.constant 0 : i32
      %dma_wait3A_30 = arith.constant 0 : i32
      %dma_wait3A_31 = tpu.memref_slice %arg3[%dma_wait3A_29, %dma_wait3A_30] : memref<100000x16xf32, #tpu.memory_space<hbm>> -> memref<100000x16xf32, #tpu.memory_space<hbm>>
      tpu.wait_indirect_dma semaphore(%arg10 : memref<!tpu.dma_semaphore, #tpu.memory_space<semaphore_mem>>) src(%dma_wait3A_31 : memref<100000x16xf32, #tpu.memory_space<hbm>>) dst(%dma_wait3A_25 : memref<100x16xf32, #tpu.memory_space<vmem>>)
      %get3A_32 = arith.constant 0 : i32
      %get3A_33 = arith.index_cast %scan3A_22 : i32 to index
      %get3A_34 = arith.index_cast %get3A_32 : i32 to index
      %get3A_35 = arith.constant 0 : index
      %get3A_36 = tpu.vector_load %arg7[%get3A_33, %get3A_34, %get3A_35] {strides = array<i32>} : memref<64x100x16xf32, #tpu.memory_space<vmem>>, vector<1x1x16xf32>,
      %get3A_37 = vector.shape_cast %get3A_36 : vector<1x1x16xf32> to vector<16xf32>
      %get3A_38 = arith.constant 1 : i32
      %get3A_39 = arith.index_cast %scan3A_22 : i32 to index
      %get3A_40 = arith.index_cast %get3A_38 : i32 to index
      %get3A_41 = arith.constant 0 : index
      %get3A_42 = tpu.vector_load %arg7[%get3A_39, %get3A_40, %get3A_41] {strides = array<i32>} : memref<64x100x16xf32, #tpu.memory_space<vmem>>, vector<1x1x16xf32>,
      %get3A_43 = vector.shape_cast %get3A_42 : vector<1x1x16xf32> to vector<16xf32>
      %get3A_44 = arith.constant 2 : i32
      %get3A_45 = arith.index_cast %scan3A_22 : i32 to index
      %get3A_46 = arith.index_cast %get3A_44 : i32 to index
      %get3A_47 = arith.constant 0 : index
      %get3A_48 = tpu.vector_load %arg7[%get3A_45, %get3A_46, %get3A_47] {strides = array<i32>} : memref<64x100x16xf32, #tpu.memory_space<vmem>>, vector<1x1x16xf32>,
      %get3A_49 = vector.shape_cast %get3A_48 : vector<1x1x16xf32> to vector<16xf32>
      %get3A_50 = arith.constant 3 : i32
      %get3A_51 = arith.index_cast %scan3A_22 : i32 to index
      %get3A_52 = arith.index_cast %get3A_50 : i32 to index
      %get3A_53 = arith.constant 0 : index
      %get3A_54 = tpu.vector_load %arg7[%get3A_51, %get3A_52, %get3A_53] {strides = array<i32>} : memref<64x100x16xf32, #tpu.memory_space<vmem>>, vector<1x1x16xf32>,
      %get3A_55 = vector.shape_cast %get3A_54 : vector<1x1x16xf32> to vector<16xf32>
      %get3A_56 = arith.constant 4 : i32
      %get3A_57 = arith.index_cast %scan3A_22 : i32 to index
      %get3A_58 = arith.index_cast %get3A_56 : i32 to index
      %get3A_59 = arith.constant 0 : index
      %get3A_60 = tpu.vector_load %arg7[%get3A_57, %get3A_58, %get3A_59] {strides = array<i32>} : memref<64x100x16xf32, #tpu.memory_space<vmem>>, vector<1x1x16xf32>,
      %get3A_61 = vector.shape_cast %get3A_60 : vector<1x1x16xf32> to vector<16xf32>
      %add3A_62 = arith.addf %get3A_37, %get3A_61 : vector<16xf32>
      %get3A_63 = arith.constant 5 : i32
      %get3A_64 = arith.index_cast %scan3A_22 : i32 to index
      %get3A_65 = arith.index_cast %get3A_63 : i32 to index
      %get3A_66 = arith.constant 0 : index
      %get3A_67 = tpu.vector_load %arg7[%get3A_64, %get3A_65, %get3A_66] {strides = array<i32>} : memref<64x100x16xf32, #tpu.memory_space<vmem>>, vector<1x1x16xf32>,
      %get3A_68 = vector.shape_cast %get3A_67 : vector<1x1x16xf32> to vector<16xf32>
      %add3A_69 = arith.addf %get3A_43, %get3A_68 : vector<16xf32>
      %get3A_70 = arith.constant 6 : i32
      %get3A_71 = arith.index_cast %scan3A_22 : i32 to index
      %get3A_72 = arith.index_cast %get3A_70 : i32 to index
      %get3A_73 = arith.constant 0 : index
      %get3A_74 = tpu.vector_load %arg7[%get3A_71, %get3A_72, %get3A_73] {strides = array<i32>} : memref<64x100x16xf32, #tpu.memory_space<vmem>>, vector<1x1x16xf32>,
      %get3A_75 = vector.shape_cast %get3A_74 : vector<1x1x16xf32> to vector<16xf32>
      %add3A_76 = arith.addf %get3A_49, %get3A_75 : vector<16xf32>
      %get3A_77 = arith.constant 7 : i32
      %get3A_78 = arith.index_cast %scan3A_22 : i32 to index
      %get3A_79 = arith.index_cast %get3A_77 : i32 to index
      %get3A_80 = arith.constant 0 : index
      %get3A_81 = tpu.vector_load %arg7[%get3A_78, %get3A_79, %get3A_80] {strides = array<i32>} : memref<64x100x16xf32, #tpu.memory_space<vmem>>, vector<1x1x16xf32>,
      %get3A_82 = vector.shape_cast %get3A_81 : vector<1x1x16xf32> to vector<16xf32>
      %add3A_83 = arith.addf %get3A_55, %get3A_82 : vector<16xf32>
      %get3A_84 = arith.constant 8 : i32
      %get3A_85 = arith.index_cast %scan3A_22 : i32 to index
      %get3A_86 = arith.index_cast %get3A_84 : i32 to index
      %get3A_87 = arith.constant 0 : index
      %get3A_88 = tpu.vector_load %arg7[%get3A_85, %get3A_86, %get3A_87] {strides = array<i32>} : memref<64x100x16xf32, #tpu.memory_space<vmem>>, vector<1x1x16xf32>,
      %get3A_89 = vector.shape_cast %get3A_88 : vector<1x1x16xf32> to vector<16xf32>
      %add3A_90 = arith.addf %add3A_62, %get3A_89 : vector<16xf32>
      %get3A_91 = arith.constant 9 : i32
      %get3A_92 = arith.index_cast %scan3A_22 : i32 to index
      %get3A_93 = arith.index_cast %get3A_91 : i32 to index
      %get3A_94 = arith.constant 0 : index
      %get3A_95 = tpu.vector_load %arg7[%get3A_92, %get3A_93, %get3A_94] {strides = array<i32>} : memref<64x100x16xf32, #tpu.memory_space<vmem>>, vector<1x1x16xf32>,
      %get3A_96 = vector.shape_cast %get3A_95 : vector<1x1x16xf32> to vector<16xf32>
      %add3A_97 = arith.addf %add3A_69, %get3A_96 : vector<16xf32>
      %get3A_98 = arith.constant 10 : i32
      %get3A_99 = arith.index_cast %scan3A_22 : i32 to index
      %get3A_100 = arith.index_cast %get3A_98 : i32 to index
      %get3A_101 = arith.constant 0 : index
      %get3A_102 = tpu.vector_load %arg7[%get3A_99, %get3A_100, %get3A_101] {strides = array<i32>} : memref<64x100x16xf32, #tpu.memory_space<vmem>>, vector<1x1x16xf32>,
      %get3A_103 = vector.shape_cast %get3A_102 : vector<1x1x16xf32> to vector<16xf32>
      %add3A_104 = arith.addf %add3A_76, %get3A_103 : vector<16xf32>
      %get3A_105 = arith.constant 11 : i32
      %get3A_106 = arith.index_cast %scan3A_22 : i32 to index
      %get3A_107 = arith.index_cast %get3A_105 : i32 to index
      %get3A_108 = arith.constant 0 : index
      %get3A_109 = tpu.vector_load %arg7[%get3A_106, %get3A_107, %get3A_108] {strides = array<i32>} : memref<64x100x16xf32, #tpu.memory_space<vmem>>, vector<1x1x16xf32>,
      %get3A_110 = vector.shape_cast %get3A_109 : vector<1x1x16xf32> to vector<16xf32>
      %add3A_111 = arith.addf %add3A_83, %get3A_110 : vector<16xf32>
      %get3A_112 = arith.constant 12 : i32
      %get3A_113 = arith.index_cast %scan3A_22 : i32 to index
      %get3A_114 = arith.index_cast %get3A_112 : i32 to index
      %get3A_115 = arith.constant 0 : index
      %get3A_116 = tpu.vector_load %arg7[%get3A_113, %get3A_114, %get3A_115] {strides = array<i32>} : memref<64x100x16xf32, #tpu.memory_space<vmem>>, vector<1x1x16xf32>,
      %get3A_117 = vector.shape_cast %get3A_116 : vector<1x1x16xf32> to vector<16xf32>
      %add3A_118 = arith.addf %add3A_90, %get3A_117 : vector<16xf32>
      %get3A_119 = arith.constant 13 : i32
      %get3A_120 = arith.index_cast %scan3A_22 : i32 to index
      %get3A_121 = arith.index_cast %get3A_119 : i32 to index
      %get3A_122 = arith.constant 0 : index
      %get3A_123 = tpu.vector_load %arg7[%get3A_120, %get3A_121, %get3A_122] {strides = array<i32>} : memref<64x100x16xf32, #tpu.memory_space<vmem>>, vector<1x1x16xf32>,
      %get3A_124 = vector.shape_cast %get3A_123 : vector<1x1x16xf32> to vector<16xf32>
      %add3A_125 = arith.addf %add3A_97, %get3A_124 : vector<16xf32>
      %get3A_126 = arith.constant 14 : i32
      %get3A_127 = arith.index_cast %scan3A_22 : i32 to index
      %get3A_128 = arith.index_cast %get3A_126 : i32 to index
      %get3A_129 = arith.constant 0 : index
      %get3A_130 = tpu.vector_load %arg7[%get3A_127, %get3A_128, %get3A_129] {strides = array<i32>} : memref<64x100x16xf32, #tpu.memory_space<vmem>>, vector<1x1x16xf32>,
      %get3A_131 = vector.shape_cast %get3A_130 : vector<1x1x16xf32> to vector<16xf32>
      %add3A_132 = arith.addf %add3A_104, %get3A_131 : vector<16xf32>
      %get3A_133 = arith.constant 15 : i32
      %get3A_134 = arith.index_cast %scan3A_22 : i32 to index
      %get3A_135 = arith.index_cast %get3A_133 : i32 to index
      %get3A_136 = arith.constant 0 : index
      %get3A_137 = tpu.vector_load %arg7[%get3A_134, %get3A_135, %get3A_136] {strides = array<i32>} : memref<64x100x16xf32, #tpu.memory_space<vmem>>, vector<1x1x16xf32>,
      %get3A_138 = vector.shape_cast %get3A_137 : vector<1x1x16xf32> to vector<16xf32>
      %add3A_139 = arith.addf %add3A_111, %get3A_138 : vector<16xf32>
      %get3A_140 = arith.constant 16 : i32
      %get3A_141 = arith.index_cast %scan3A_22 : i32 to index
      %get3A_142 = arith.index_cast %get3A_140 : i32 to index
      %get3A_143 = arith.constant 0 : index
      %get3A_144 = tpu.vector_load %arg7[%get3A_141, %get3A_142, %get3A_143] {strides = array<i32>} : memref<64x100x16xf32, #tpu.memory_space<vmem>>, vector<1x1x16xf32>,
      %get3A_145 = vector.shape_cast %get3A_144 : vector<1x1x16xf32> to vector<16xf32>
      %add3A_146 = arith.addf %add3A_118, %get3A_145 : vector<16xf32>
      %get3A_147 = arith.constant 17 : i32
      %get3A_148 = arith.index_cast %scan3A_22 : i32 to index
      %get3A_149 = arith.index_cast %get3A_147 : i32 to index
      %get3A_150 = arith.constant 0 : index
      %get3A_151 = tpu.vector_load %arg7[%get3A_148, %get3A_149, %get3A_150] {strides = array<i32>} : memref<64x100x16xf32, #tpu.memory_space<vmem>>, vector<1x1x16xf32>,
      %get3A_152 = vector.shape_cast %get3A_151 : vector<1x1x16xf32> to vector<16xf32>
      %add3A_153 = arith.addf %add3A_125, %get3A_152 : vector<16xf32>
      %get3A_154 = arith.constant 18 : i32
      %get3A_155 = arith.index_cast %scan3A_22 : i32 to index
      %get3A_156 = arith.index_cast %get3A_154 : i32 to index
      %get3A_157 = arith.constant 0 : index
      %get3A_158 = tpu.vector_load %arg7[%get3A_155, %get3A_156, %get3A_157] {strides = array<i32>} : memref<64x100x16xf32, #tpu.memory_space<vmem>>, vector<1x1x16xf32>,
      %get3A_159 = vector.shape_cast %get3A_158 : vector<1x1x16xf32> to vector<16xf32>
      %add3A_160 = arith.addf %add3A_132, %get3A_159 : vector<16xf32>
      %get3A_161 = arith.constant 19 : i32
      %get3A_162 = arith.index_cast %scan3A_22 : i32 to index
      %get3A_163 = arith.index_cast %get3A_161 : i32 to index
      %get3A_164 = arith.constant 0 : index
      %get3A_165 = tpu.vector_load %arg7[%get3A_162, %get3A_163, %get3A_164] {strides = array<i32>} : memref<64x100x16xf32, #tpu.memory_space<vmem>>, vector<1x1x16xf32>,
      %get3A_166 = vector.shape_cast %get3A_165 : vector<1x1x16xf32> to vector<16xf32>
      %add3A_167 = arith.addf %add3A_139, %get3A_166 : vector<16xf32>
      %get3A_168 = arith.constant 20 : i32
      %get3A_169 = arith.index_cast %scan3A_22 : i32 to index
      %get3A_170 = arith.index_cast %get3A_168 : i32 to index
      %get3A_171 = arith.constant 0 : index
      %get3A_172 = tpu.vector_load %arg7[%get3A_169, %get3A_170, %get3A_171] {strides = array<i32>} : memref<64x100x16xf32, #tpu.memory_space<vmem>>, vector<1x1x16xf32>,
      %get3A_173 = vector.shape_cast %get3A_172 : vector<1x1x16xf32> to vector<16xf32>
      %add3A_174 = arith.addf %add3A_146, %get3A_173 : vector<16xf32>
      %get3A_175 = arith.constant 21 : i32
      %get3A_176 = arith.index_cast %scan3A_22 : i32 to index
      %get3A_177 = arith.index_cast %get3A_175 : i32 to index
      %get3A_178 = arith.constant 0 : index
      %get3A_179 = tpu.vector_load %arg7[%get3A_176, %get3A_177, %get3A_178] {strides = array<i32>} : memref<64x100x16xf32, #tpu.memory_space<vmem>>, vector<1x1x16xf32>,
      %get3A_180 = vector.shape_cast %get3A_179 : vector<1x1x16xf32> to vector<16xf32>
      %add3A_181 = arith.addf %add3A_153, %get3A_180 : vector<16xf32>
      %get3A_182 = arith.constant 22 : i32
      %get3A_183 = arith.index_cast %scan3A_22 : i32 to index
      %get3A_184 = arith.index_cast %get3A_182 : i32 to index
      %get3A_185 = arith.constant 0 : index
      %get3A_186 = tpu.vector_load %arg7[%get3A_183, %get3A_184, %get3A_185] {strides = array<i32>} : memref<64x100x16xf32, #tpu.memory_space<vmem>>, vector<1x1x16xf32>,
      %get3A_187 = vector.shape_cast %get3A_186 : vector<1x1x16xf32> to vector<16xf32>
      %add3A_188 = arith.addf %add3A_160, %get3A_187 : vector<16xf32>
      %get3A_189 = arith.constant 23 : i32
      %get3A_190 = arith.index_cast %scan3A_22 : i32 to index
      %get3A_191 = arith.index_cast %get3A_189 : i32 to index
      %get3A_192 = arith.constant 0 : index
      %get3A_193 = tpu.vector_load %arg7[%get3A_190, %get3A_191, %get3A_192] {strides = array<i32>} : memref<64x100x16xf32, #tpu.memory_space<vmem>>, vector<1x1x16xf32>,
      %get3A_194 = vector.shape_cast %get3A_193 : vector<1x1x16xf32> to vector<16xf32>
      %add3A_195 = arith.addf %add3A_167, %get3A_194 : vector<16xf32>
      %get3A_196 = arith.constant 24 : i32
      %get3A_197 = arith.index_cast %scan3A_22 : i32 to index
      %get3A_198 = arith.index_cast %get3A_196 : i32 to index
      %get3A_199 = arith.constant 0 : index
      %get3A_200 = tpu.vector_load %arg7[%get3A_197, %get3A_198, %get3A_199] {strides = array<i32>} : memref<64x100x16xf32, #tpu.memory_space<vmem>>, vector<1x1x16xf32>,
      %get3A_201 = vector.shape_cast %get3A_200 : vector<1x1x16xf32> to vector<16xf32>
      %add3A_202 = arith.addf %add3A_174, %get3A_201 : vector<16xf32>
      %get3A_203 = arith.constant 25 : i32
      %get3A_204 = arith.index_cast %scan3A_22 : i32 to index
      %get3A_205 = arith.index_cast %get3A_203 : i32 to index
      %get3A_206 = arith.constant 0 : index
      %get3A_207 = tpu.vector_load %arg7[%get3A_204, %get3A_205, %get3A_206] {strides = array<i32>} : memref<64x100x16xf32, #tpu.memory_space<vmem>>, vector<1x1x16xf32>,
      %get3A_208 = vector.shape_cast %get3A_207 : vector<1x1x16xf32> to vector<16xf32>
      %add3A_209 = arith.addf %add3A_181, %get3A_208 : vector<16xf32>
      %get3A_210 = arith.constant 26 : i32
      %get3A_211 = arith.index_cast %scan3A_22 : i32 to index
      %get3A_212 = arith.index_cast %get3A_210 : i32 to index
      %get3A_213 = arith.constant 0 : index
      %get3A_214 = tpu.vector_load %arg7[%get3A_211, %get3A_212, %get3A_213] {strides = array<i32>} : memref<64x100x16xf32, #tpu.memory_space<vmem>>, vector<1x1x16xf32>,
      %get3A_215 = vector.shape_cast %get3A_214 : vector<1x1x16xf32> to vector<16xf32>
      %add3A_216 = arith.addf %add3A_188, %get3A_215 : vector<16xf32>
      %get3A_217 = arith.constant 27 : i32
      %get3A_218 = arith.index_cast %scan3A_22 : i32 to index
      %get3A_219 = arith.index_cast %get3A_217 : i32 to index
      %get3A_220 = arith.constant 0 : index
      %get3A_221 = tpu.vector_load %arg7[%get3A_218, %get3A_219, %get3A_220] {strides = array<i32>} : memref<64x100x16xf32, #tpu.memory_space<vmem>>, vector<1x1x16xf32>,
      %get3A_222 = vector.shape_cast %get3A_221 : vector<1x1x16xf32> to vector<16xf32>
      %add3A_223 = arith.addf %add3A_195, %get3A_222 : vector<16xf32>
      %get3A_224 = arith.constant 28 : i32
      %get3A_225 = arith.index_cast %scan3A_22 : i32 to index
      %get3A_226 = arith.index_cast %get3A_224 : i32 to index
      %get3A_227 = arith.constant 0 : index
      %get3A_228 = tpu.vector_load %arg7[%get3A_225, %get3A_226, %get3A_227] {strides = array<i32>} : memref<64x100x16xf32, #tpu.memory_space<vmem>>, vector<1x1x16xf32>,
      %get3A_229 = vector.shape_cast %get3A_228 : vector<1x1x16xf32> to vector<16xf32>
      %add3A_230 = arith.addf %add3A_202, %get3A_229 : vector<16xf32>
      %get3A_231 = arith.constant 29 : i32
      %get3A_232 = arith.index_cast %scan3A_22 : i32 to index
      %get3A_233 = arith.index_cast %get3A_231 : i32 to index
      %get3A_234 = arith.constant 0 : index
      %get3A_235 = tpu.vector_load %arg7[%get3A_232, %get3A_233, %get3A_234] {strides = array<i32>} : memref<64x100x16xf32, #tpu.memory_space<vmem>>, vector<1x1x16xf32>,
      %get3A_236 = vector.shape_cast %get3A_235 : vector<1x1x16xf32> to vector<16xf32>
      %add3A_237 = arith.addf %add3A_209, %get3A_236 : vector<16xf32>
      %get3A_238 = arith.constant 30 : i32
      %get3A_239 = arith.index_cast %scan3A_22 : i32 to index
      %get3A_240 = arith.index_cast %get3A_238 : i32 to index
      %get3A_241 = arith.constant 0 : index
      %get3A_242 = tpu.vector_load %arg7[%get3A_239, %get3A_240, %get3A_241] {strides = array<i32>} : memref<64x100x16xf32, #tpu.memory_space<vmem>>, vector<1x1x16xf32>,
      %get3A_243 = vector.shape_cast %get3A_242 : vector<1x1x16xf32> to vector<16xf32>
      %add3A_244 = arith.addf %add3A_216, %get3A_243 : vector<16xf32>
      %get3A_245 = arith.constant 31 : i32
      %get3A_246 = arith.index_cast %scan3A_22 : i32 to index
      %get3A_247 = arith.index_cast %get3A_245 : i32 to index
      %get3A_248 = arith.constant 0 : index
      %get3A_249 = tpu.vector_load %arg7[%get3A_246, %get3A_247, %get3A_248] {strides = array<i32>} : memref<64x100x16xf32, #tpu.memory_space<vmem>>, vector<1x1x16xf32>,
      %get3A_250 = vector.shape_cast %get3A_249 : vector<1x1x16xf32> to vector<16xf32>
      %add3A_251 = arith.addf %add3A_223, %get3A_250 : vector<16xf32>
      %get3A_252 = arith.constant 32 : i32
      %get3A_253 = arith.index_cast %scan3A_22 : i32 to index
      %get3A_254 = arith.index_cast %get3A_252 : i32 to index
      %get3A_255 = arith.constant 0 : index
      %get3A_256 = tpu.vector_load %arg7[%get3A_253, %get3A_254, %get3A_255] {strides = array<i32>} : memref<64x100x16xf32, #tpu.memory_space<vmem>>, vector<1x1x16xf32>,
      %get3A_257 = vector.shape_cast %get3A_256 : vector<1x1x16xf32> to vector<16xf32>
      %add3A_258 = arith.addf %add3A_230, %get3A_257 : vector<16xf32>
      %get3A_259 = arith.constant 33 : i32
      %get3A_260 = arith.index_cast %scan3A_22 : i32 to index
      %get3A_261 = arith.index_cast %get3A_259 : i32 to index
      %get3A_262 = arith.constant 0 : index
      %get3A_263 = tpu.vector_load %arg7[%get3A_260, %get3A_261, %get3A_262] {strides = array<i32>} : memref<64x100x16xf32, #tpu.memory_space<vmem>>, vector<1x1x16xf32>,
      %get3A_264 = vector.shape_cast %get3A_263 : vector<1x1x16xf32> to vector<16xf32>
      %add3A_265 = arith.addf %add3A_237, %get3A_264 : vector<16xf32>
      %get3A_266 = arith.constant 34 : i32
      %get3A_267 = arith.index_cast %scan3A_22 : i32 to index
      %get3A_268 = arith.index_cast %get3A_266 : i32 to index
      %get3A_269 = arith.constant 0 : index
      %get3A_270 = tpu.vector_load %arg7[%get3A_267, %get3A_268, %get3A_269] {strides = array<i32>} : memref<64x100x16xf32, #tpu.memory_space<vmem>>, vector<1x1x16xf32>,
      %get3A_271 = vector.shape_cast %get3A_270 : vector<1x1x16xf32> to vector<16xf32>
      %add3A_272 = arith.addf %add3A_244, %get3A_271 : vector<16xf32>
      %get3A_273 = arith.constant 35 : i32
      %get3A_274 = arith.index_cast %scan3A_22 : i32 to index
      %get3A_275 = arith.index_cast %get3A_273 : i32 to index
      %get3A_276 = arith.constant 0 : index
      %get3A_277 = tpu.vector_load %arg7[%get3A_274, %get3A_275, %get3A_276] {strides = array<i32>} : memref<64x100x16xf32, #tpu.memory_space<vmem>>, vector<1x1x16xf32>,
      %get3A_278 = vector.shape_cast %get3A_277 : vector<1x1x16xf32> to vector<16xf32>
      %add3A_279 = arith.addf %add3A_251, %get3A_278 : vector<16xf32>
      %get3A_280 = arith.constant 36 : i32
      %get3A_281 = arith.index_cast %scan3A_22 : i32 to index
      %get3A_282 = arith.index_cast %get3A_280 : i32 to index
      %get3A_283 = arith.constant 0 : index
      %get3A_284 = tpu.vector_load %arg7[%get3A_281, %get3A_282, %get3A_283] {strides = array<i32>} : memref<64x100x16xf32, #tpu.memory_space<vmem>>, vector<1x1x16xf32>,
      %get3A_285 = vector.shape_cast %get3A_284 : vector<1x1x16xf32> to vector<16xf32>
      %add3A_286 = arith.addf %add3A_258, %get3A_285 : vector<16xf32>
      %get3A_287 = arith.constant 37 : i32
      %get3A_288 = arith.index_cast %scan3A_22 : i32 to index
      %get3A_289 = arith.index_cast %get3A_287 : i32 to index
      %get3A_290 = arith.constant 0 : index
      %get3A_291 = tpu.vector_load %arg7[%get3A_288, %get3A_289, %get3A_290] {strides = array<i32>} : memref<64x100x16xf32, #tpu.memory_space<vmem>>, vector<1x1x16xf32>,
      %get3A_292 = vector.shape_cast %get3A_291 : vector<1x1x16xf32> to vector<16xf32>
      %add3A_293 = arith.addf %add3A_265, %get3A_292 : vector<16xf32>
      %get3A_294 = arith.constant 38 : i32
      %get3A_295 = arith.index_cast %scan3A_22 : i32 to index
      %get3A_296 = arith.index_cast %get3A_294 : i32 to index
      %get3A_297 = arith.constant 0 : index
      %get3A_298 = tpu.vector_load %arg7[%get3A_295, %get3A_296, %get3A_297] {strides = array<i32>} : memref<64x100x16xf32, #tpu.memory_space<vmem>>, vector<1x1x16xf32>,
      %get3A_299 = vector.shape_cast %get3A_298 : vector<1x1x16xf32> to vector<16xf32>
      %add3A_300 = arith.addf %add3A_272, %get3A_299 : vector<16xf32>
      %get3A_301 = arith.constant 39 : i32
      %get3A_302 = arith.index_cast %scan3A_22 : i32 to index
      %get3A_303 = arith.index_cast %get3A_301 : i32 to index
      %get3A_304 = arith.constant 0 : index
      %get3A_305 = tpu.vector_load %arg7[%get3A_302, %get3A_303, %get3A_304] {strides = array<i32>} : memref<64x100x16xf32, #tpu.memory_space<vmem>>, vector<1x1x16xf32>,
      %get3A_306 = vector.shape_cast %get3A_305 : vector<1x1x16xf32> to vector<16xf32>
      %add3A_307 = arith.addf %add3A_279, %get3A_306 : vector<16xf32>
      %get3A_308 = arith.constant 40 : i32
      %get3A_309 = arith.index_cast %scan3A_22 : i32 to index
      %get3A_310 = arith.index_cast %get3A_308 : i32 to index
      %get3A_311 = arith.constant 0 : index
      %get3A_312 = tpu.vector_load %arg7[%get3A_309, %get3A_310, %get3A_311] {strides = array<i32>} : memref<64x100x16xf32, #tpu.memory_space<vmem>>, vector<1x1x16xf32>,
      %get3A_313 = vector.shape_cast %get3A_312 : vector<1x1x16xf32> to vector<16xf32>
      %add3A_314 = arith.addf %add3A_286, %get3A_313 : vector<16xf32>
      %get3A_315 = arith.constant 41 : i32
      %get3A_316 = arith.index_cast %scan3A_22 : i32 to index
      %get3A_317 = arith.index_cast %get3A_315 : i32 to index
      %get3A_318 = arith.constant 0 : index
      %get3A_319 = tpu.vector_load %arg7[%get3A_316, %get3A_317, %get3A_318] {strides = array<i32>} : memref<64x100x16xf32, #tpu.memory_space<vmem>>, vector<1x1x16xf32>,
      %get3A_320 = vector.shape_cast %get3A_319 : vector<1x1x16xf32> to vector<16xf32>
      %add3A_321 = arith.addf %add3A_293, %get3A_320 : vector<16xf32>
      %get3A_322 = arith.constant 42 : i32
      %get3A_323 = arith.index_cast %scan3A_22 : i32 to index
      %get3A_324 = arith.index_cast %get3A_322 : i32 to index
      %get3A_325 = arith.constant 0 : index
      %get3A_326 = tpu.vector_load %arg7[%get3A_323, %get3A_324, %get3A_325] {strides = array<i32>} : memref<64x100x16xf32, #tpu.memory_space<vmem>>, vector<1x1x16xf32>,
      %get3A_327 = vector.shape_cast %get3A_326 : vector<1x1x16xf32> to vector<16xf32>
      %add3A_328 = arith.addf %add3A_300, %get3A_327 : vector<16xf32>
      %get3A_329 = arith.constant 43 : i32
      %get3A_330 = arith.index_cast %scan3A_22 : i32 to index
      %get3A_331 = arith.index_cast %get3A_329 : i32 to index
      %get3A_332 = arith.constant 0 : index
      %get3A_333 = tpu.vector_load %arg7[%get3A_330, %get3A_331, %get3A_332] {strides = array<i32>} : memref<64x100x16xf32, #tpu.memory_space<vmem>>, vector<1x1x16xf32>,
      %get3A_334 = vector.shape_cast %get3A_333 : vector<1x1x16xf32> to vector<16xf32>
      %add3A_335 = arith.addf %add3A_307, %get3A_334 : vector<16xf32>
      %get3A_336 = arith.constant 44 : i32
      %get3A_337 = arith.index_cast %scan3A_22 : i32 to index
      %get3A_338 = arith.index_cast %get3A_336 : i32 to index
      %get3A_339 = arith.constant 0 : index
      %get3A_340 = tpu.vector_load %arg7[%get3A_337, %get3A_338, %get3A_339] {strides = array<i32>} : memref<64x100x16xf32, #tpu.memory_space<vmem>>, vector<1x1x16xf32>,
      %get3A_341 = vector.shape_cast %get3A_340 : vector<1x1x16xf32> to vector<16xf32>
      %add3A_342 = arith.addf %add3A_314, %get3A_341 : vector<16xf32>
      %get3A_343 = arith.constant 45 : i32
      %get3A_344 = arith.index_cast %scan3A_22 : i32 to index
      %get3A_345 = arith.index_cast %get3A_343 : i32 to index
      %get3A_346 = arith.constant 0 : index
      %get3A_347 = tpu.vector_load %arg7[%get3A_344, %get3A_345, %get3A_346] {strides = array<i32>} : memref<64x100x16xf32, #tpu.memory_space<vmem>>, vector<1x1x16xf32>,
      %get3A_348 = vector.shape_cast %get3A_347 : vector<1x1x16xf32> to vector<16xf32>
      %add3A_349 = arith.addf %add3A_321, %get3A_348 : vector<16xf32>
      %get3A_350 = arith.constant 46 : i32
      %get3A_351 = arith.index_cast %scan3A_22 : i32 to index
      %get3A_352 = arith.index_cast %get3A_350 : i32 to index
      %get3A_353 = arith.constant 0 : index
      %get3A_354 = tpu.vector_load %arg7[%get3A_351, %get3A_352, %get3A_353] {strides = array<i32>} : memref<64x100x16xf32, #tpu.memory_space<vmem>>, vector<1x1x16xf32>,
      %get3A_355 = vector.shape_cast %get3A_354 : vector<1x1x16xf32> to vector<16xf32>
      %add3A_356 = arith.addf %add3A_328, %get3A_355 : vector<16xf32>
      %get3A_357 = arith.constant 47 : i32
      %get3A_358 = arith.index_cast %scan3A_22 : i32 to index
      %get3A_359 = arith.index_cast %get3A_357 : i32 to index
      %get3A_360 = arith.constant 0 : index
      %get3A_361 = tpu.vector_load %arg7[%get3A_358, %get3A_359, %get3A_360] {strides = array<i32>} : memref<64x100x16xf32, #tpu.memory_space<vmem>>, vector<1x1x16xf32>,
      %get3A_362 = vector.shape_cast %get3A_361 : vector<1x1x16xf32> to vector<16xf32>
      %add3A_363 = arith.addf %add3A_335, %get3A_362 : vector<16xf32>
      %get3A_364 = arith.constant 48 : i32
      %get3A_365 = arith.index_cast %scan3A_22 : i32 to index
      %get3A_366 = arith.index_cast %get3A_364 : i32 to index
      %get3A_367 = arith.constant 0 : index
      %get3A_368 = tpu.vector_load %arg7[%get3A_365, %get3A_366, %get3A_367] {strides = array<i32>} : memref<64x100x16xf32, #tpu.memory_space<vmem>>, vector<1x1x16xf32>,
      %get3A_369 = vector.shape_cast %get3A_368 : vector<1x1x16xf32> to vector<16xf32>
      %add3A_370 = arith.addf %add3A_342, %get3A_369 : vector<16xf32>
      %get3A_371 = arith.constant 49 : i32
      %get3A_372 = arith.index_cast %scan3A_22 : i32 to index
      %get3A_373 = arith.index_cast %get3A_371 : i32 to index
      %get3A_374 = arith.constant 0 : index
      %get3A_375 = tpu.vector_load %arg7[%get3A_372, %get3A_373, %get3A_374] {strides = array<i32>} : memref<64x100x16xf32, #tpu.memory_space<vmem>>, vector<1x1x16xf32>,
      %get3A_376 = vector.shape_cast %get3A_375 : vector<1x1x16xf32> to vector<16xf32>
      %add3A_377 = arith.addf %add3A_349, %get3A_376 : vector<16xf32>
      %add3A_378 = arith.addf %add3A_370, %add3A_377 : vector<16xf32>
      %add3A_379 = arith.addf %add3A_356, %add3A_363 : vector<16xf32>
      %add3A_380 = arith.addf %add3A_378, %add3A_379 : vector<16xf32>
      %mul3A_381 = arith.constant 2.000000e-02 : f32
      %mul3A_382 = vector.broadcast %mul3A_381 : f32 to vector<16xf32>
      %mul3A_383 = arith.mulf %add3A_380, %mul3A_382 : vector<16xf32>
      %add3A_384 = arith.addf %mul3A_383, %get3A_2 : vector<16xf32>
      %slice3A = vector.extract_strided_slice %add3A_384 {offsets = [0], sizes = [1], strides = [1]} : vector<16xf32> to vector<1xf32>
      %squeeze3A = vector.extract %slice3A[0] : f32 from vector<1xf32>
      %slice3A_385 = vector.extract_strided_slice %add3A_384 {offsets = [0], sizes = [1], strides = [1]} : vector<16xf32> to vector<1xf32>
      %squeeze3A_386 = vector.extract %slice3A_385[0] : f32 from vector<1xf32>
      %mul3A_387 = arith.mulf %squeeze3A, %squeeze3A_386 : f32
      %slice3A_388 = vector.extract_strided_slice %add3A_384 {offsets = [1], sizes = [1], strides = [1]} : vector<16xf32> to vector<1xf32>
      %squeeze3A_389 = vector.extract %slice3A_388[0] : f32 from vector<1xf32>
      %slice3A_390 = vector.extract_strided_slice %add3A_384 {offsets = [1], sizes = [1], strides = [1]} : vector<16xf32> to vector<1xf32>
      %squeeze3A_391 = vector.extract %slice3A_390[0] : f32 from vector<1xf32>
      %mul3A_392 = arith.mulf %squeeze3A_389, %squeeze3A_391 : f32
      %add3A_393 = arith.addf %mul3A_387, %mul3A_392 : f32
      %slice3A_394 = vector.extract_strided_slice %add3A_384 {offsets = [2], sizes = [1], strides = [1]} : vector<16xf32> to vector<1xf32>
      %squeeze3A_395 = vector.extract %slice3A_394[0] : f32 from vector<1xf32>
      %slice3A_396 = vector.extract_strided_slice %add3A_384 {offsets = [2], sizes = [1], strides = [1]} : vector<16xf32> to vector<1xf32>
      %squeeze3A_397 = vector.extract %slice3A_396[0] : f32 from vector<1xf32>
      %mul3A_398 = arith.mulf %squeeze3A_395, %squeeze3A_397 : f32
      %add3A_399 = arith.addf %add3A_393, %mul3A_398 : f32
      %max3A = arith.constant 9.99999996E-13 : f32
      %max3A_400 = arith.maximumf %add3A_399, %max3A : f32
      %bitcast_convert_type3A = arith.bitcast %max3A_400 : f32 to i32
      %shift_right_logical3A = arith.constant 1 : i32
      %shift_right_logical3A_401 = arith.shrui %bitcast_convert_type3A, %shift_right_logical3A : i32
      %sub3A = arith.constant 1597463007 : i32
      %sub3A_402 = arith.subi %sub3A, %shift_right_logical3A_401 : i32
      %bitcast_convert_type3A_403 = arith.bitcast %sub3A_402 : i32 to f32
      %mul3A_404 = arith.constant 5.000000e-01 : f32
      %mul3A_405 = arith.mulf %mul3A_404, %max3A_400 : f32
      %mul3A_406 = arith.mulf %mul3A_405, %bitcast_convert_type3A_403 : f32
      %mul3A_407 = arith.mulf %mul3A_406, %bitcast_convert_type3A_403 : f32
      %sub3A_408 = arith.constant 1.500000e+00 : f32
      %sub3A_409 = arith.subf %sub3A_408, %mul3A_407 : f32
      %mul3A_410 = arith.mulf %bitcast_convert_type3A_403, %sub3A_409 : f32
      %mul3A_411 = arith.constant 5.000000e-01 : f32
      %mul3A_412 = arith.mulf %mul3A_411, %max3A_400 : f32
      %mul3A_413 = arith.mulf %mul3A_412, %mul3A_410 : f32
      %mul3A_414 = arith.mulf %mul3A_413, %mul3A_410 : f32
      %sub3A_415 = arith.constant 1.500000e+00 : f32
      %sub3A_416 = arith.subf %sub3A_415, %mul3A_414 : f32
      %mul3A_417 = arith.mulf %mul3A_410, %sub3A_416 : f32
      %mul3A_418 = arith.constant 5.000000e-01 : f32
      %mul3A_419 = arith.mulf %mul3A_418, %max3A_400 : f32
      %mul3A_420 = arith.mulf %mul3A_419, %mul3A_417 : f32
      %mul3A_421 = arith.mulf %mul3A_420, %mul3A_417 : f32
      %sub3A_422 = arith.constant 1.500000e+00 : f32
      %sub3A_423 = arith.subf %sub3A_422, %mul3A_421 : f32
      %mul3A_424 = arith.mulf %mul3A_417, %sub3A_423 : f32
      %mul3A_425 = vector.broadcast %mul3A_424 : f32 to vector<16xf32>
      %mul3A_426 = arith.mulf %add3A_384, %mul3A_425 : vector<16xf32>
      %mul3A_427 = arith.constant 2 : i32
      %mul3A_428 = arith.muli %mul3A_427, %scan3A_22 : i32
      %add3A_429 = arith.constant 0 : i32
      %add3A_430 = arith.addi %mul3A_428, %add3A_429 : i32
      %swap3A = arith.index_cast %add3A_430 : i32 to index
      %swap3A_431 = arith.constant 0 : index
      %swap3A_432 = tpu.vector_load %arg8[%swap3A, %swap3A_431] {strides = array<i32>} : memref<128x16xf32, #tpu.memory_space<vmem>>, vector<1x16xf32>,
      %swap3A_433 = vector.shape_cast %swap3A_432 : vector<1x16xf32> to vector<16xf32>
      %swap3A_434 = vector.shape_cast %mul3A_426 : vector<16xf32> to vector<1x16xf32>
      tpu.vector_store %arg8[%swap3A, %swap3A_431], %swap3A_434 {strides = array<i32>} : memref<128x16xf32, #tpu.memory_space<vmem>>, vector<1x16xf32>,
      %get3A_435 = arith.constant 50 : i32
      %get3A_436 = arith.index_cast %scan3A_22 : i32 to index
      %get3A_437 = arith.index_cast %get3A_435 : i32 to index
      %get3A_438 = arith.constant 0 : index
      %get3A_439 = tpu.vector_load %arg7[%get3A_436, %get3A_437, %get3A_438] {strides = array<i32>} : memref<64x100x16xf32, #tpu.memory_space<vmem>>, vector<1x1x16xf32>,
      %get3A_440 = vector.shape_cast %get3A_439 : vector<1x1x16xf32> to vector<16xf32>
      %get3A_441 = arith.constant 51 : i32
      %get3A_442 = arith.index_cast %scan3A_22 : i32 to index
      %get3A_443 = arith.index_cast %get3A_441 : i32 to index
      %get3A_444 = arith.constant 0 : index
      %get3A_445 = tpu.vector_load %arg7[%get3A_442, %get3A_443, %get3A_444] {strides = array<i32>} : memref<64x100x16xf32, #tpu.memory_space<vmem>>, vector<1x1x16xf32>,
      %get3A_446 = vector.shape_cast %get3A_445 : vector<1x1x16xf32> to vector<16xf32>
      %get3A_447 = arith.constant 52 : i32
      %get3A_448 = arith.index_cast %scan3A_22 : i32 to index
      %get3A_449 = arith.index_cast %get3A_447 : i32 to index
      %get3A_450 = arith.constant 0 : index
      %get3A_451 = tpu.vector_load %arg7[%get3A_448, %get3A_449, %get3A_450] {strides = array<i32>} : memref<64x100x16xf32, #tpu.memory_space<vmem>>, vector<1x1x16xf32>,
      %get3A_452 = vector.shape_cast %get3A_451 : vector<1x1x16xf32> to vector<16xf32>
      %get3A_453 = arith.constant 53 : i32
      %get3A_454 = arith.index_cast %scan3A_22 : i32 to index
      %get3A_455 = arith.index_cast %get3A_453 : i32 to index
      %get3A_456 = arith.constant 0 : index
      %get3A_457 = tpu.vector_load %arg7[%get3A_454, %get3A_455, %get3A_456] {strides = array<i32>} : memref<64x100x16xf32, #tpu.memory_space<vmem>>, vector<1x1x16xf32>,
      %get3A_458 = vector.shape_cast %get3A_457 : vector<1x1x16xf32> to vector<16xf32>
      %get3A_459 = arith.constant 54 : i32
      %get3A_460 = arith.index_cast %scan3A_22 : i32 to index
      %get3A_461 = arith.index_cast %get3A_459 : i32 to index
      %get3A_462 = arith.constant 0 : index
      %get3A_463 = tpu.vector_load %arg7[%get3A_460, %get3A_461, %get3A_462] {strides = array<i32>} : memref<64x100x16xf32, #tpu.memory_space<vmem>>, vector<1x1x16xf32>,
      %get3A_464 = vector.shape_cast %get3A_463 : vector<1x1x16xf32> to vector<16xf32>
      %add3A_465 = arith.addf %get3A_440, %get3A_464 : vector<16xf32>
      %get3A_466 = arith.constant 55 : i32
      %get3A_467 = arith.index_cast %scan3A_22 : i32 to index
      %get3A_468 = arith.index_cast %get3A_466 : i32 to index
      %get3A_469 = arith.constant 0 : index
      %get3A_470 = tpu.vector_load %arg7[%get3A_467, %get3A_468, %get3A_469] {strides = array<i32>} : memref<64x100x16xf32, #tpu.memory_space<vmem>>, vector<1x1x16xf32>,
      %get3A_471 = vector.shape_cast %get3A_470 : vector<1x1x16xf32> to vector<16xf32>
      %add3A_472 = arith.addf %get3A_446, %get3A_471 : vector<16xf32>
      %get3A_473 = arith.constant 56 : i32
      %get3A_474 = arith.index_cast %scan3A_22 : i32 to index
      %get3A_475 = arith.index_cast %get3A_473 : i32 to index
      %get3A_476 = arith.constant 0 : index
      %get3A_477 = tpu.vector_load %arg7[%get3A_474, %get3A_475, %get3A_476] {strides = array<i32>} : memref<64x100x16xf32, #tpu.memory_space<vmem>>, vector<1x1x16xf32>,
      %get3A_478 = vector.shape_cast %get3A_477 : vector<1x1x16xf32> to vector<16xf32>
      %add3A_479 = arith.addf %get3A_452, %get3A_478 : vector<16xf32>
      %get3A_480 = arith.constant 57 : i32
      %get3A_481 = arith.index_cast %scan3A_22 : i32 to index
      %get3A_482 = arith.index_cast %get3A_480 : i32 to index
      %get3A_483 = arith.constant 0 : index
      %get3A_484 = tpu.vector_load %arg7[%get3A_481, %get3A_482, %get3A_483] {strides = array<i32>} : memref<64x100x16xf32, #tpu.memory_space<vmem>>, vector<1x1x16xf32>,
      %get3A_485 = vector.shape_cast %get3A_484 : vector<1x1x16xf32> to vector<16xf32>
      %add3A_486 = arith.addf %get3A_458, %get3A_485 : vector<16xf32>
      %get3A_487 = arith.constant 58 : i32
      %get3A_488 = arith.index_cast %scan3A_22 : i32 to index
      %get3A_489 = arith.index_cast %get3A_487 : i32 to index
      %get3A_490 = arith.constant 0 : index
      %get3A_491 = tpu.vector_load %arg7[%get3A_488, %get3A_489, %get3A_490] {strides = array<i32>} : memref<64x100x16xf32, #tpu.memory_space<vmem>>, vector<1x1x16xf32>,
      %get3A_492 = vector.shape_cast %get3A_491 : vector<1x1x16xf32> to vector<16xf32>
      %add3A_493 = arith.addf %add3A_465, %get3A_492 : vector<16xf32>
      %get3A_494 = arith.constant 59 : i32
      %get3A_495 = arith.index_cast %scan3A_22 : i32 to index
      %get3A_496 = arith.index_cast %get3A_494 : i32 to index
      %get3A_497 = arith.constant 0 : index
      %get3A_498 = tpu.vector_load %arg7[%get3A_495, %get3A_496, %get3A_497] {strides = array<i32>} : memref<64x100x16xf32, #tpu.memory_space<vmem>>, vector<1x1x16xf32>,
      %get3A_499 = vector.shape_cast %get3A_498 : vector<1x1x16xf32> to vector<16xf32>
      %add3A_500 = arith.addf %add3A_472, %get3A_499 : vector<16xf32>
      %get3A_501 = arith.constant 60 : i32
      %get3A_502 = arith.index_cast %scan3A_22 : i32 to index
      %get3A_503 = arith.index_cast %get3A_501 : i32 to index
      %get3A_504 = arith.constant 0 : index
      %get3A_505 = tpu.vector_load %arg7[%get3A_502, %get3A_503, %get3A_504] {strides = array<i32>} : memref<64x100x16xf32, #tpu.memory_space<vmem>>, vector<1x1x16xf32>,
      %get3A_506 = vector.shape_cast %get3A_505 : vector<1x1x16xf32> to vector<16xf32>
      %add3A_507 = arith.addf %add3A_479, %get3A_506 : vector<16xf32>
      %get3A_508 = arith.constant 61 : i32
      %get3A_509 = arith.index_cast %scan3A_22 : i32 to index
      %get3A_510 = arith.index_cast %get3A_508 : i32 to index
      %get3A_511 = arith.constant 0 : index
      %get3A_512 = tpu.vector_load %arg7[%get3A_509, %get3A_510, %get3A_511] {strides = array<i32>} : memref<64x100x16xf32, #tpu.memory_space<vmem>>, vector<1x1x16xf32>,
      %get3A_513 = vector.shape_cast %get3A_512 : vector<1x1x16xf32> to vector<16xf32>
      %add3A_514 = arith.addf %add3A_486, %get3A_513 : vector<16xf32>
      %get3A_515 = arith.constant 62 : i32
      %get3A_516 = arith.index_cast %scan3A_22 : i32 to index
      %get3A_517 = arith.index_cast %get3A_515 : i32 to index
      %get3A_518 = arith.constant 0 : index
      %get3A_519 = tpu.vector_load %arg7[%get3A_516, %get3A_517, %get3A_518] {strides = array<i32>} : memref<64x100x16xf32, #tpu.memory_space<vmem>>, vector<1x1x16xf32>,
      %get3A_520 = vector.shape_cast %get3A_519 : vector<1x1x16xf32> to vector<16xf32>
      %add3A_521 = arith.addf %add3A_493, %get3A_520 : vector<16xf32>
      %get3A_522 = arith.constant 63 : i32
      %get3A_523 = arith.index_cast %scan3A_22 : i32 to index
      %get3A_524 = arith.index_cast %get3A_522 : i32 to index
      %get3A_525 = arith.constant 0 : index
      %get3A_526 = tpu.vector_load %arg7[%get3A_523, %get3A_524, %get3A_525] {strides = array<i32>} : memref<64x100x16xf32, #tpu.memory_space<vmem>>, vector<1x1x16xf32>,
      %get3A_527 = vector.shape_cast %get3A_526 : vector<1x1x16xf32> to vector<16xf32>
      %add3A_528 = arith.addf %add3A_500, %get3A_527 : vector<16xf32>
      %get3A_529 = arith.constant 64 : i32
      %get3A_530 = arith.index_cast %scan3A_22 : i32 to index
      %get3A_531 = arith.index_cast %get3A_529 : i32 to index
      %get3A_532 = arith.constant 0 : index
      %get3A_533 = tpu.vector_load %arg7[%get3A_530, %get3A_531, %get3A_532] {strides = array<i32>} : memref<64x100x16xf32, #tpu.memory_space<vmem>>, vector<1x1x16xf32>,
      %get3A_534 = vector.shape_cast %get3A_533 : vector<1x1x16xf32> to vector<16xf32>
      %add3A_535 = arith.addf %add3A_507, %get3A_534 : vector<16xf32>
      %get3A_536 = arith.constant 65 : i32
      %get3A_537 = arith.index_cast %scan3A_22 : i32 to index
      %get3A_538 = arith.index_cast %get3A_536 : i32 to index
      %get3A_539 = arith.constant 0 : index
      %get3A_540 = tpu.vector_load %arg7[%get3A_537, %get3A_538, %get3A_539] {strides = array<i32>} : memref<64x100x16xf32, #tpu.memory_space<vmem>>, vector<1x1x16xf32>,
      %get3A_541 = vector.shape_cast %get3A_540 : vector<1x1x16xf32> to vector<16xf32>
      %add3A_542 = arith.addf %add3A_514, %get3A_541 : vector<16xf32>
      %get3A_543 = arith.constant 66 : i32
      %get3A_544 = arith.index_cast %scan3A_22 : i32 to index
      %get3A_545 = arith.index_cast %get3A_543 : i32 to index
      %get3A_546 = arith.constant 0 : index
      %get3A_547 = tpu.vector_load %arg7[%get3A_544, %get3A_545, %get3A_546] {strides = array<i32>} : memref<64x100x16xf32, #tpu.memory_space<vmem>>, vector<1x1x16xf32>,
      %get3A_548 = vector.shape_cast %get3A_547 : vector<1x1x16xf32> to vector<16xf32>
      %add3A_549 = arith.addf %add3A_521, %get3A_548 : vector<16xf32>
      %get3A_550 = arith.constant 67 : i32
      %get3A_551 = arith.index_cast %scan3A_22 : i32 to index
      %get3A_552 = arith.index_cast %get3A_550 : i32 to index
      %get3A_553 = arith.constant 0 : index
      %get3A_554 = tpu.vector_load %arg7[%get3A_551, %get3A_552, %get3A_553] {strides = array<i32>} : memref<64x100x16xf32, #tpu.memory_space<vmem>>, vector<1x1x16xf32>,
      %get3A_555 = vector.shape_cast %get3A_554 : vector<1x1x16xf32> to vector<16xf32>
      %add3A_556 = arith.addf %add3A_528, %get3A_555 : vector<16xf32>
      %get3A_557 = arith.constant 68 : i32
      %get3A_558 = arith.index_cast %scan3A_22 : i32 to index
      %get3A_559 = arith.index_cast %get3A_557 : i32 to index
      %get3A_560 = arith.constant 0 : index
      %get3A_561 = tpu.vector_load %arg7[%get3A_558, %get3A_559, %get3A_560] {strides = array<i32>} : memref<64x100x16xf32, #tpu.memory_space<vmem>>, vector<1x1x16xf32>,
      %get3A_562 = vector.shape_cast %get3A_561 : vector<1x1x16xf32> to vector<16xf32>
      %add3A_563 = arith.addf %add3A_535, %get3A_562 : vector<16xf32>
      %get3A_564 = arith.constant 69 : i32
      %get3A_565 = arith.index_cast %scan3A_22 : i32 to index
      %get3A_566 = arith.index_cast %get3A_564 : i32 to index
      %get3A_567 = arith.constant 0 : index
      %get3A_568 = tpu.vector_load %arg7[%get3A_565, %get3A_566, %get3A_567] {strides = array<i32>} : memref<64x100x16xf32, #tpu.memory_space<vmem>>, vector<1x1x16xf32>,
      %get3A_569 = vector.shape_cast %get3A_568 : vector<1x1x16xf32> to vector<16xf32>
      %add3A_570 = arith.addf %add3A_542, %get3A_569 : vector<16xf32>
      %get3A_571 = arith.constant 70 : i32
      %get3A_572 = arith.index_cast %scan3A_22 : i32 to index
      %get3A_573 = arith.index_cast %get3A_571 : i32 to index
      %get3A_574 = arith.constant 0 : index
      %get3A_575 = tpu.vector_load %arg7[%get3A_572, %get3A_573, %get3A_574] {strides = array<i32>} : memref<64x100x16xf32, #tpu.memory_space<vmem>>, vector<1x1x16xf32>,
      %get3A_576 = vector.shape_cast %get3A_575 : vector<1x1x16xf32> to vector<16xf32>
      %add3A_577 = arith.addf %add3A_549, %get3A_576 : vector<16xf32>
      %get3A_578 = arith.constant 71 : i32
      %get3A_579 = arith.index_cast %scan3A_22 : i32 to index
      %get3A_580 = arith.index_cast %get3A_578 : i32 to index
      %get3A_581 = arith.constant 0 : index
      %get3A_582 = tpu.vector_load %arg7[%get3A_579, %get3A_580, %get3A_581] {strides = array<i32>} : memref<64x100x16xf32, #tpu.memory_space<vmem>>, vector<1x1x16xf32>,
      %get3A_583 = vector.shape_cast %get3A_582 : vector<1x1x16xf32> to vector<16xf32>
      %add3A_584 = arith.addf %add3A_556, %get3A_583 : vector<16xf32>
      %get3A_585 = arith.constant 72 : i32
      %get3A_586 = arith.index_cast %scan3A_22 : i32 to index
      %get3A_587 = arith.index_cast %get3A_585 : i32 to index
      %get3A_588 = arith.constant 0 : index
      %get3A_589 = tpu.vector_load %arg7[%get3A_586, %get3A_587, %get3A_588] {strides = array<i32>} : memref<64x100x16xf32, #tpu.memory_space<vmem>>, vector<1x1x16xf32>,
      %get3A_590 = vector.shape_cast %get3A_589 : vector<1x1x16xf32> to vector<16xf32>
      %add3A_591 = arith.addf %add3A_563, %get3A_590 : vector<16xf32>
      %get3A_592 = arith.constant 73 : i32
      %get3A_593 = arith.index_cast %scan3A_22 : i32 to index
      %get3A_594 = arith.index_cast %get3A_592 : i32 to index
      %get3A_595 = arith.constant 0 : index
      %get3A_596 = tpu.vector_load %arg7[%get3A_593, %get3A_594, %get3A_595] {strides = array<i32>} : memref<64x100x16xf32, #tpu.memory_space<vmem>>, vector<1x1x16xf32>,
      %get3A_597 = vector.shape_cast %get3A_596 : vector<1x1x16xf32> to vector<16xf32>
      %add3A_598 = arith.addf %add3A_570, %get3A_597 : vector<16xf32>
      %get3A_599 = arith.constant 74 : i32
      %get3A_600 = arith.index_cast %scan3A_22 : i32 to index
      %get3A_601 = arith.index_cast %get3A_599 : i32 to index
      %get3A_602 = arith.constant 0 : index
      %get3A_603 = tpu.vector_load %arg7[%get3A_600, %get3A_601, %get3A_602] {strides = array<i32>} : memref<64x100x16xf32, #tpu.memory_space<vmem>>, vector<1x1x16xf32>,
      %get3A_604 = vector.shape_cast %get3A_603 : vector<1x1x16xf32> to vector<16xf32>
      %add3A_605 = arith.addf %add3A_577, %get3A_604 : vector<16xf32>
      %get3A_606 = arith.constant 75 : i32
      %get3A_607 = arith.index_cast %scan3A_22 : i32 to index
      %get3A_608 = arith.index_cast %get3A_606 : i32 to index
      %get3A_609 = arith.constant 0 : index
      %get3A_610 = tpu.vector_load %arg7[%get3A_607, %get3A_608, %get3A_609] {strides = array<i32>} : memref<64x100x16xf32, #tpu.memory_space<vmem>>, vector<1x1x16xf32>,
      %get3A_611 = vector.shape_cast %get3A_610 : vector<1x1x16xf32> to vector<16xf32>
      %add3A_612 = arith.addf %add3A_584, %get3A_611 : vector<16xf32>
      %get3A_613 = arith.constant 76 : i32
      %get3A_614 = arith.index_cast %scan3A_22 : i32 to index
      %get3A_615 = arith.index_cast %get3A_613 : i32 to index
      %get3A_616 = arith.constant 0 : index
      %get3A_617 = tpu.vector_load %arg7[%get3A_614, %get3A_615, %get3A_616] {strides = array<i32>} : memref<64x100x16xf32, #tpu.memory_space<vmem>>, vector<1x1x16xf32>,
      %get3A_618 = vector.shape_cast %get3A_617 : vector<1x1x16xf32> to vector<16xf32>
      %add3A_619 = arith.addf %add3A_591, %get3A_618 : vector<16xf32>
      %get3A_620 = arith.constant 77 : i32
      %get3A_621 = arith.index_cast %scan3A_22 : i32 to index
      %get3A_622 = arith.index_cast %get3A_620 : i32 to index
      %get3A_623 = arith.constant 0 : index
      %get3A_624 = tpu.vector_load %arg7[%get3A_621, %get3A_622, %get3A_623] {strides = array<i32>} : memref<64x100x16xf32, #tpu.memory_space<vmem>>, vector<1x1x16xf32>,
      %get3A_625 = vector.shape_cast %get3A_624 : vector<1x1x16xf32> to vector<16xf32>
      %add3A_626 = arith.addf %add3A_598, %get3A_625 : vector<16xf32>
      %get3A_627 = arith.constant 78 : i32
      %get3A_628 = arith.index_cast %scan3A_22 : i32 to index
      %get3A_629 = arith.index_cast %get3A_627 : i32 to index
      %get3A_630 = arith.constant 0 : index
      %get3A_631 = tpu.vector_load %arg7[%get3A_628, %get3A_629, %get3A_630] {strides = array<i32>} : memref<64x100x16xf32, #tpu.memory_space<vmem>>, vector<1x1x16xf32>,
      %get3A_632 = vector.shape_cast %get3A_631 : vector<1x1x16xf32> to vector<16xf32>
      %add3A_633 = arith.addf %add3A_605, %get3A_632 : vector<16xf32>
      %get3A_634 = arith.constant 79 : i32
      %get3A_635 = arith.index_cast %scan3A_22 : i32 to index
      %get3A_636 = arith.index_cast %get3A_634 : i32 to index
      %get3A_637 = arith.constant 0 : index
      %get3A_638 = tpu.vector_load %arg7[%get3A_635, %get3A_636, %get3A_637] {strides = array<i32>} : memref<64x100x16xf32, #tpu.memory_space<vmem>>, vector<1x1x16xf32>,
      %get3A_639 = vector.shape_cast %get3A_638 : vector<1x1x16xf32> to vector<16xf32>
      %add3A_640 = arith.addf %add3A_612, %get3A_639 : vector<16xf32>
      %get3A_641 = arith.constant 80 : i32
      %get3A_642 = arith.index_cast %scan3A_22 : i32 to index
      %get3A_643 = arith.index_cast %get3A_641 : i32 to index
      %get3A_644 = arith.constant 0 : index
      %get3A_645 = tpu.vector_load %arg7[%get3A_642, %get3A_643, %get3A_644] {strides = array<i32>} : memref<64x100x16xf32, #tpu.memory_space<vmem>>, vector<1x1x16xf32>,
      %get3A_646 = vector.shape_cast %get3A_645 : vector<1x1x16xf32> to vector<16xf32>
      %add3A_647 = arith.addf %add3A_619, %get3A_646 : vector<16xf32>
      %get3A_648 = arith.constant 81 : i32
      %get3A_649 = arith.index_cast %scan3A_22 : i32 to index
      %get3A_650 = arith.index_cast %get3A_648 : i32 to index
      %get3A_651 = arith.constant 0 : index
      %get3A_652 = tpu.vector_load %arg7[%get3A_649, %get3A_650, %get3A_651] {strides = array<i32>} : memref<64x100x16xf32, #tpu.memory_space<vmem>>, vector<1x1x16xf32>,
      %get3A_653 = vector.shape_cast %get3A_652 : vector<1x1x16xf32> to vector<16xf32>
      %add3A_654 = arith.addf %add3A_626, %get3A_653 : vector<16xf32>
      %get3A_655 = arith.constant 82 : i32
      %get3A_656 = arith.index_cast %scan3A_22 : i32 to index
      %get3A_657 = arith.index_cast %get3A_655 : i32 to index
      %get3A_658 = arith.constant 0 : index
      %get3A_659 = tpu.vector_load %arg7[%get3A_656, %get3A_657, %get3A_658] {strides = array<i32>} : memref<64x100x16xf32, #tpu.memory_space<vmem>>, vector<1x1x16xf32>,
      %get3A_660 = vector.shape_cast %get3A_659 : vector<1x1x16xf32> to vector<16xf32>
      %add3A_661 = arith.addf %add3A_633, %get3A_660 : vector<16xf32>
      %get3A_662 = arith.constant 83 : i32
      %get3A_663 = arith.index_cast %scan3A_22 : i32 to index
      %get3A_664 = arith.index_cast %get3A_662 : i32 to index
      %get3A_665 = arith.constant 0 : index
      %get3A_666 = tpu.vector_load %arg7[%get3A_663, %get3A_664, %get3A_665] {strides = array<i32>} : memref<64x100x16xf32, #tpu.memory_space<vmem>>, vector<1x1x16xf32>,
      %get3A_667 = vector.shape_cast %get3A_666 : vector<1x1x16xf32> to vector<16xf32>
      %add3A_668 = arith.addf %add3A_640, %get3A_667 : vector<16xf32>
      %get3A_669 = arith.constant 84 : i32
      %get3A_670 = arith.index_cast %scan3A_22 : i32 to index
      %get3A_671 = arith.index_cast %get3A_669 : i32 to index
      %get3A_672 = arith.constant 0 : index
      %get3A_673 = tpu.vector_load %arg7[%get3A_670, %get3A_671, %get3A_672] {strides = array<i32>} : memref<64x100x16xf32, #tpu.memory_space<vmem>>, vector<1x1x16xf32>,
      %get3A_674 = vector.shape_cast %get3A_673 : vector<1x1x16xf32> to vector<16xf32>
      %add3A_675 = arith.addf %add3A_647, %get3A_674 : vector<16xf32>
      %get3A_676 = arith.constant 85 : i32
      %get3A_677 = arith.index_cast %scan3A_22 : i32 to index
      %get3A_678 = arith.index_cast %get3A_676 : i32 to index
      %get3A_679 = arith.constant 0 : index
      %get3A_680 = tpu.vector_load %arg7[%get3A_677, %get3A_678, %get3A_679] {strides = array<i32>} : memref<64x100x16xf32, #tpu.memory_space<vmem>>, vector<1x1x16xf32>,
      %get3A_681 = vector.shape_cast %get3A_680 : vector<1x1x16xf32> to vector<16xf32>
      %add3A_682 = arith.addf %add3A_654, %get3A_681 : vector<16xf32>
      %get3A_683 = arith.constant 86 : i32
      %get3A_684 = arith.index_cast %scan3A_22 : i32 to index
      %get3A_685 = arith.index_cast %get3A_683 : i32 to index
      %get3A_686 = arith.constant 0 : index
      %get3A_687 = tpu.vector_load %arg7[%get3A_684, %get3A_685, %get3A_686] {strides = array<i32>} : memref<64x100x16xf32, #tpu.memory_space<vmem>>, vector<1x1x16xf32>,
      %get3A_688 = vector.shape_cast %get3A_687 : vector<1x1x16xf32> to vector<16xf32>
      %add3A_689 = arith.addf %add3A_661, %get3A_688 : vector<16xf32>
      %get3A_690 = arith.constant 87 : i32
      %get3A_691 = arith.index_cast %scan3A_22 : i32 to index
      %get3A_692 = arith.index_cast %get3A_690 : i32 to index
      %get3A_693 = arith.constant 0 : index
      %get3A_694 = tpu.vector_load %arg7[%get3A_691, %get3A_692, %get3A_693] {strides = array<i32>} : memref<64x100x16xf32, #tpu.memory_space<vmem>>, vector<1x1x16xf32>,
      %get3A_695 = vector.shape_cast %get3A_694 : vector<1x1x16xf32> to vector<16xf32>
      %add3A_696 = arith.addf %add3A_668, %get3A_695 : vector<16xf32>
      %get3A_697 = arith.constant 88 : i32
      %get3A_698 = arith.index_cast %scan3A_22 : i32 to index
      %get3A_699 = arith.index_cast %get3A_697 : i32 to index
      %get3A_700 = arith.constant 0 : index
      %get3A_701 = tpu.vector_load %arg7[%get3A_698, %get3A_699, %get3A_700] {strides = array<i32>} : memref<64x100x16xf32, #tpu.memory_space<vmem>>, vector<1x1x16xf32>,
      %get3A_702 = vector.shape_cast %get3A_701 : vector<1x1x16xf32> to vector<16xf32>
      %add3A_703 = arith.addf %add3A_675, %get3A_702 : vector<16xf32>
      %get3A_704 = arith.constant 89 : i32
      %get3A_705 = arith.index_cast %scan3A_22 : i32 to index
      %get3A_706 = arith.index_cast %get3A_704 : i32 to index
      %get3A_707 = arith.constant 0 : index
      %get3A_708 = tpu.vector_load %arg7[%get3A_705, %get3A_706, %get3A_707] {strides = array<i32>} : memref<64x100x16xf32, #tpu.memory_space<vmem>>, vector<1x1x16xf32>,
      %get3A_709 = vector.shape_cast %get3A_708 : vector<1x1x16xf32> to vector<16xf32>
      %add3A_710 = arith.addf %add3A_682, %get3A_709 : vector<16xf32>
      %get3A_711 = arith.constant 90 : i32
      %get3A_712 = arith.index_cast %scan3A_22 : i32 to index
      %get3A_713 = arith.index_cast %get3A_711 : i32 to index
      %get3A_714 = arith.constant 0 : index
      %get3A_715 = tpu.vector_load %arg7[%get3A_712, %get3A_713, %get3A_714] {strides = array<i32>} : memref<64x100x16xf32, #tpu.memory_space<vmem>>, vector<1x1x16xf32>,
      %get3A_716 = vector.shape_cast %get3A_715 : vector<1x1x16xf32> to vector<16xf32>
      %add3A_717 = arith.addf %add3A_689, %get3A_716 : vector<16xf32>
      %get3A_718 = arith.constant 91 : i32
      %get3A_719 = arith.index_cast %scan3A_22 : i32 to index
      %get3A_720 = arith.index_cast %get3A_718 : i32 to index
      %get3A_721 = arith.constant 0 : index
      %get3A_722 = tpu.vector_load %arg7[%get3A_719, %get3A_720, %get3A_721] {strides = array<i32>} : memref<64x100x16xf32, #tpu.memory_space<vmem>>, vector<1x1x16xf32>,
      %get3A_723 = vector.shape_cast %get3A_722 : vector<1x1x16xf32> to vector<16xf32>
      %add3A_724 = arith.addf %add3A_696, %get3A_723 : vector<16xf32>
      %get3A_725 = arith.constant 92 : i32
      %get3A_726 = arith.index_cast %scan3A_22 : i32 to index
      %get3A_727 = arith.index_cast %get3A_725 : i32 to index
      %get3A_728 = arith.constant 0 : index
      %get3A_729 = tpu.vector_load %arg7[%get3A_726, %get3A_727, %get3A_728] {strides = array<i32>} : memref<64x100x16xf32, #tpu.memory_space<vmem>>, vector<1x1x16xf32>,
      %get3A_730 = vector.shape_cast %get3A_729 : vector<1x1x16xf32> to vector<16xf32>
      %add3A_731 = arith.addf %add3A_703, %get3A_730 : vector<16xf32>
      %get3A_732 = arith.constant 93 : i32
      %get3A_733 = arith.index_cast %scan3A_22 : i32 to index
      %get3A_734 = arith.index_cast %get3A_732 : i32 to index
      %get3A_735 = arith.constant 0 : index
      %get3A_736 = tpu.vector_load %arg7[%get3A_733, %get3A_734, %get3A_735] {strides = array<i32>} : memref<64x100x16xf32, #tpu.memory_space<vmem>>, vector<1x1x16xf32>,
      %get3A_737 = vector.shape_cast %get3A_736 : vector<1x1x16xf32> to vector<16xf32>
      %add3A_738 = arith.addf %add3A_710, %get3A_737 : vector<16xf32>
      %get3A_739 = arith.constant 94 : i32
      %get3A_740 = arith.index_cast %scan3A_22 : i32 to index
      %get3A_741 = arith.index_cast %get3A_739 : i32 to index
      %get3A_742 = arith.constant 0 : index
      %get3A_743 = tpu.vector_load %arg7[%get3A_740, %get3A_741, %get3A_742] {strides = array<i32>} : memref<64x100x16xf32, #tpu.memory_space<vmem>>, vector<1x1x16xf32>,
      %get3A_744 = vector.shape_cast %get3A_743 : vector<1x1x16xf32> to vector<16xf32>
      %add3A_745 = arith.addf %add3A_717, %get3A_744 : vector<16xf32>
      %get3A_746 = arith.constant 95 : i32
      %get3A_747 = arith.index_cast %scan3A_22 : i32 to index
      %get3A_748 = arith.index_cast %get3A_746 : i32 to index
      %get3A_749 = arith.constant 0 : index
      %get3A_750 = tpu.vector_load %arg7[%get3A_747, %get3A_748, %get3A_749] {strides = array<i32>} : memref<64x100x16xf32, #tpu.memory_space<vmem>>, vector<1x1x16xf32>,
      %get3A_751 = vector.shape_cast %get3A_750 : vector<1x1x16xf32> to vector<16xf32>
      %add3A_752 = arith.addf %add3A_724, %get3A_751 : vector<16xf32>
      %get3A_753 = arith.constant 96 : i32
      %get3A_754 = arith.index_cast %scan3A_22 : i32 to index
      %get3A_755 = arith.index_cast %get3A_753 : i32 to index
      %get3A_756 = arith.constant 0 : index
      %get3A_757 = tpu.vector_load %arg7[%get3A_754, %get3A_755, %get3A_756] {strides = array<i32>} : memref<64x100x16xf32, #tpu.memory_space<vmem>>, vector<1x1x16xf32>,
      %get3A_758 = vector.shape_cast %get3A_757 : vector<1x1x16xf32> to vector<16xf32>
      %add3A_759 = arith.addf %add3A_731, %get3A_758 : vector<16xf32>
      %get3A_760 = arith.constant 97 : i32
      %get3A_761 = arith.index_cast %scan3A_22 : i32 to index
      %get3A_762 = arith.index_cast %get3A_760 : i32 to index
      %get3A_763 = arith.constant 0 : index
      %get3A_764 = tpu.vector_load %arg7[%get3A_761, %get3A_762, %get3A_763] {strides = array<i32>} : memref<64x100x16xf32, #tpu.memory_space<vmem>>, vector<1x1x16xf32>,
      %get3A_765 = vector.shape_cast %get3A_764 : vector<1x1x16xf32> to vector<16xf32>
      %add3A_766 = arith.addf %add3A_738, %get3A_765 : vector<16xf32>
      %get3A_767 = arith.constant 98 : i32
      %get3A_768 = arith.index_cast %scan3A_22 : i32 to index
      %get3A_769 = arith.index_cast %get3A_767 : i32 to index
      %get3A_770 = arith.constant 0 : index
      %get3A_771 = tpu.vector_load %arg7[%get3A_768, %get3A_769, %get3A_770] {strides = array<i32>} : memref<64x100x16xf32, #tpu.memory_space<vmem>>, vector<1x1x16xf32>,
      %get3A_772 = vector.shape_cast %get3A_771 : vector<1x1x16xf32> to vector<16xf32>
      %add3A_773 = arith.addf %add3A_745, %get3A_772 : vector<16xf32>
      %get3A_774 = arith.constant 99 : i32
      %get3A_775 = arith.index_cast %scan3A_22 : i32 to index
      %get3A_776 = arith.index_cast %get3A_774 : i32 to index
      %get3A_777 = arith.constant 0 : index
      %get3A_778 = tpu.vector_load %arg7[%get3A_775, %get3A_776, %get3A_777] {strides = array<i32>} : memref<64x100x16xf32, #tpu.memory_space<vmem>>, vector<1x1x16xf32>,
      %get3A_779 = vector.shape_cast %get3A_778 : vector<1x1x16xf32> to vector<16xf32>
      %add3A_780 = arith.addf %add3A_752, %get3A_779 : vector<16xf32>
      %add3A_781 = arith.addf %add3A_773, %add3A_780 : vector<16xf32>
      %add3A_782 = arith.addf %add3A_759, %add3A_766 : vector<16xf32>
      %add3A_783 = arith.addf %add3A_781, %add3A_782 : vector<16xf32>
      %mul3A_784 = arith.constant 2.000000e-02 : f32
      %mul3A_785 = vector.broadcast %mul3A_784 : f32 to vector<16xf32>
      %mul3A_786 = arith.mulf %add3A_783, %mul3A_785 : vector<16xf32>
      %add3A_787 = arith.addf %mul3A_786, %get3A_2 : vector<16xf32>
      %slice3A_788 = vector.extract_strided_slice %add3A_787 {offsets = [0], sizes = [1], strides = [1]} : vector<16xf32> to vector<1xf32>
      %squeeze3A_789 = vector.extract %slice3A_788[0] : f32 from vector<1xf32>
      %slice3A_790 = vector.extract_strided_slice %add3A_787 {offsets = [0], sizes = [1], strides = [1]} : vector<16xf32> to vector<1xf32>
      %squeeze3A_791 = vector.extract %slice3A_790[0] : f32 from vector<1xf32>
      %mul3A_792 = arith.mulf %squeeze3A_789, %squeeze3A_791 : f32
      %slice3A_793 = vector.extract_strided_slice %add3A_787 {offsets = [1], sizes = [1], strides = [1]} : vector<16xf32> to vector<1xf32>
      %squeeze3A_794 = vector.extract %slice3A_793[0] : f32 from vector<1xf32>
      %slice3A_795 = vector.extract_strided_slice %add3A_787 {offsets = [1], sizes = [1], strides = [1]} : vector<16xf32> to vector<1xf32>
      %squeeze3A_796 = vector.extract %slice3A_795[0] : f32 from vector<1xf32>
      %mul3A_797 = arith.mulf %squeeze3A_794, %squeeze3A_796 : f32
      %add3A_798 = arith.addf %mul3A_792, %mul3A_797 : f32
      %slice3A_799 = vector.extract_strided_slice %add3A_787 {offsets = [2], sizes = [1], strides = [1]} : vector<16xf32> to vector<1xf32>
      %squeeze3A_800 = vector.extract %slice3A_799[0] : f32 from vector<1xf32>
      %slice3A_801 = vector.extract_strided_slice %add3A_787 {offsets = [2], sizes = [1], strides = [1]} : vector<16xf32> to vector<1xf32>
      %squeeze3A_802 = vector.extract %slice3A_801[0] : f32 from vector<1xf32>
      %mul3A_803 = arith.mulf %squeeze3A_800, %squeeze3A_802 : f32
      %add3A_804 = arith.addf %add3A_798, %mul3A_803 : f32
      %max3A_805 = arith.constant 9.99999996E-13 : f32
      %max3A_806 = arith.maximumf %add3A_804, %max3A_805 : f32
      %bitcast_convert_type3A_807 = arith.bitcast %max3A_806 : f32 to i32
      %shift_right_logical3A_808 = arith.constant 1 : i32
      %shift_right_logical3A_809 = arith.shrui %bitcast_convert_type3A_807, %shift_right_logical3A_808 : i32
      %sub3A_810 = arith.constant 1597463007 : i32
      %sub3A_811 = arith.subi %sub3A_810, %shift_right_logical3A_809 : i32
      %bitcast_convert_type3A_812 = arith.bitcast %sub3A_811 : i32 to f32
      %mul3A_813 = arith.constant 5.000000e-01 : f32
      %mul3A_814 = arith.mulf %mul3A_813, %max3A_806 : f32
      %mul3A_815 = arith.mulf %mul3A_814, %bitcast_convert_type3A_812 : f32
      %mul3A_816 = arith.mulf %mul3A_815, %bitcast_convert_type3A_812 : f32
      %sub3A_817 = arith.constant 1.500000e+00 : f32
      %sub3A_818 = arith.subf %sub3A_817, %mul3A_816 : f32
      %mul3A_819 = arith.mulf %bitcast_convert_type3A_812, %sub3A_818 : f32
      %mul3A_820 = arith.constant 5.000000e-01 : f32
      %mul3A_821 = arith.mulf %mul3A_820, %max3A_806 : f32
      %mul3A_822 = arith.mulf %mul3A_821, %mul3A_819 : f32
      %mul3A_823 = arith.mulf %mul3A_822, %mul3A_819 : f32
      %sub3A_824 = arith.constant 1.500000e+00 : f32
      %sub3A_825 = arith.subf %sub3A_824, %mul3A_823 : f32
      %mul3A_826 = arith.mulf %mul3A_819, %sub3A_825 : f32
      %mul3A_827 = arith.constant 5.000000e-01 : f32
      %mul3A_828 = arith.mulf %mul3A_827, %max3A_806 : f32
      %mul3A_829 = arith.mulf %mul3A_828, %mul3A_826 : f32
      %mul3A_830 = arith.mulf %mul3A_829, %mul3A_826 : f32
      %sub3A_831 = arith.constant 1.500000e+00 : f32
      %sub3A_832 = arith.subf %sub3A_831, %mul3A_830 : f32
      %mul3A_833 = arith.mulf %mul3A_826, %sub3A_832 : f32
      %mul3A_834 = vector.broadcast %mul3A_833 : f32 to vector<16xf32>
      %mul3A_835 = arith.mulf %add3A_787, %mul3A_834 : vector<16xf32>
      %mul3A_836 = arith.constant 2 : i32
      %mul3A_837 = arith.muli %mul3A_836, %scan3A_22 : i32
      %add3A_838 = arith.constant 1 : i32
      %add3A_839 = arith.addi %mul3A_837, %add3A_838 : i32
      %swap3A_840 = arith.index_cast %add3A_839 : i32 to index
      %swap3A_841 = arith.constant 0 : index
      %swap3A_842 = tpu.vector_load %arg8[%swap3A_840, %swap3A_841] {strides = array<i32>} : memref<128x16xf32, #tpu.memory_space<vmem>>, vector<1x16xf32>,
      %swap3A_843 = vector.shape_cast %swap3A_842 : vector<1x16xf32> to vector<16xf32>
      %swap3A_844 = vector.shape_cast %mul3A_835 : vector<16xf32> to vector<1x16xf32>
      tpu.vector_store %arg8[%swap3A_840, %swap3A_841], %swap3A_844 {strides = array<i32>} : memref<128x16xf32, #tpu.memory_space<vmem>>, vector<1x16xf32>,
    }
    %scan3A_19 = arith.constant 24 : i32
    %mul3A_20 = arith.constant 128 : i32
    %mul3A_21 = arith.muli %add3A, %mul3A_20 : i32
    "tpu.region"() ({
      %run_scoped3A = tpu.sem_alloc : memref<!tpu.dma_semaphore, #tpu.memory_space<semaphore_mem>>
      %dma_start3A = arith.constant 0 : i32
      %dma_start3A_22 = tpu.memref_slice %arg5[%mul3A_21, %dma_start3A] : memref<4096x16xf32, #tpu.memory_space<hbm>> -> memref<128x16xf32, #tpu.memory_space<hbm>>
      %dma_start3A_23 = arith.constant 0 : i32
      %dma_start3A_24 = tpu.memref_slice %arg5[%mul3A_21, %dma_start3A_23] : memref<4096x16xf32, #tpu.memory_space<hbm>> -> memref<128x16xf32, #tpu.memory_space<hbm>>
      tpu.enqueue_dma source(%arg8 : memref<128x16xf32, #tpu.memory_space<vmem>>) target(%dma_start3A_24 : memref<128x16xf32, #tpu.memory_space<hbm>>) target_semaphore(%run_scoped3A : memref<!tpu.dma_semaphore, #tpu.memory_space<semaphore_mem>>)
      %dma_wait3A = arith.constant 0 : i32
      %dma_wait3A_25 = tpu.memref_slice %arg5[%mul3A_21, %dma_wait3A] : memref<4096x16xf32, #tpu.memory_space<hbm>> -> memref<128x16xf32, #tpu.memory_space<hbm>>
      %dma_wait3A_26 = arith.constant 0 : i32
      %dma_wait3A_27 = tpu.memref_slice %arg5[%mul3A_21, %dma_wait3A_26] : memref<4096x16xf32, #tpu.memory_space<hbm>> -> memref<128x16xf32, #tpu.memory_space<hbm>>
      tpu.wait_dma2 semaphore(%run_scoped3A : memref<!tpu.dma_semaphore, #tpu.memory_space<semaphore_mem>>) src(%arg8 : memref<128x16xf32, #tpu.memory_space<vmem>>) dst(%dma_wait3A_27 : memref<128x16xf32, #tpu.memory_space<hbm>>)
      tpu.yield
    }) : () -> ()
    return
  }
}

module attributes {stable_mosaic.version = 14 : i64} {
  func.func @_proj_body(%arg0: i32, %arg1: memref<1x2500x8x64xf32, #tpu.memory_space<vmem>>, %arg2: memref<8x64x128xf32, #tpu.memory_space<vmem>>, %arg3: memref<1x2500x128xf32, #tpu.memory_space<vmem>>) attributes {dimension_semantics = [#tpu.dimension_semantics<arbitrary>], iteration_bounds = array<i64: 5>, scalar_prefetch = 0 : i64, scratch_operands = 0 : i64, tpu.core_type = #tpu.core_type<tc>, window_params = [{transform_indices = @transform_0, window_bounds = array<i64: 1, 2500, 8, 64>}, {pipeline_mode = #tpu.pipeline_mode<synchronous>, transform_indices = @transform_1, window_bounds = array<i64: 8, 64, 128>}, {transform_indices = @transform_2, window_bounds = array<i64: 1, 2500, 128>}]} {
    %broadcast_in_dim3A = arith.constant 0.000000e+00 : f32
    %broadcast_in_dim3A_0 = vector.broadcast %broadcast_in_dim3A : f32 to vector<2500x128xf32>
    %get3A = arith.constant 0 : index
    %get3A_1 = arith.constant 0 : index
    %get3A_2 = arith.constant 0 : index
    %get3A_3 = arith.constant 0 : index
    %get3A_4 = vector.load %arg1[%get3A, %get3A_1, %get3A_2, %get3A_3] : memref<1x2500x8x64xf32, #tpu.memory_space<vmem>>, vector<1x2500x1x64xf32>
    %get3A_5 = vector.shape_cast %get3A_4 : vector<1x2500x1x64xf32> to vector<2500x64xf32>
    %get3A_6 = arith.constant 0 : index
    %get3A_7 = arith.constant 0 : index
    %get3A_8 = arith.constant 0 : index
    %get3A_9 = vector.load %arg2[%get3A_6, %get3A_7, %get3A_8] : memref<8x64x128xf32, #tpu.memory_space<vmem>>, vector<1x64x128xf32>
    %get3A_10 = vector.shape_cast %get3A_9 : vector<1x64x128xf32> to vector<64x128xf32>
    %dot_general3A = arith.constant dense<0.000000e+00> : vector<2500x128xf32>
    %dot_general3A_11 = tpu.matmul %get3A_5, %get3A_10, %dot_general3A {dimension_numbers = #tpu.dot_dimension_numbers<[1], [0], [0], [1], [0, 0, 1, 1], [], []>, transpose_lhs_hint = false} : vector<2500x64xf32>, vector<64x128xf32>, vector<2500x128xf32> -> vector<2500x128xf32>
    %add3A = arith.addf %broadcast_in_dim3A_0, %dot_general3A_11 : vector<2500x128xf32>
    %get3A_12 = arith.constant 0 : index
    %get3A_13 = arith.constant 0 : index
    %get3A_14 = arith.constant 1 : index
    %get3A_15 = arith.constant 0 : index
    %get3A_16 = vector.load %arg1[%get3A_12, %get3A_13, %get3A_14, %get3A_15] : memref<1x2500x8x64xf32, #tpu.memory_space<vmem>>, vector<1x2500x1x64xf32>
    %get3A_17 = vector.shape_cast %get3A_16 : vector<1x2500x1x64xf32> to vector<2500x64xf32>
    %get3A_18 = arith.constant 1 : index
    %get3A_19 = arith.constant 0 : index
    %get3A_20 = arith.constant 0 : index
    %get3A_21 = vector.load %arg2[%get3A_18, %get3A_19, %get3A_20] : memref<8x64x128xf32, #tpu.memory_space<vmem>>, vector<1x64x128xf32>
    %get3A_22 = vector.shape_cast %get3A_21 : vector<1x64x128xf32> to vector<64x128xf32>
    %dot_general3A_23 = arith.constant dense<0.000000e+00> : vector<2500x128xf32>
    %dot_general3A_24 = tpu.matmul %get3A_17, %get3A_22, %dot_general3A_23 {dimension_numbers = #tpu.dot_dimension_numbers<[1], [0], [0], [1], [0, 0, 1, 1], [], []>, transpose_lhs_hint = false} : vector<2500x64xf32>, vector<64x128xf32>, vector<2500x128xf32> -> vector<2500x128xf32>
    %add3A_25 = arith.addf %add3A, %dot_general3A_24 : vector<2500x128xf32>
    %get3A_26 = arith.constant 0 : index
    %get3A_27 = arith.constant 0 : index
    %get3A_28 = arith.constant 2 : index
    %get3A_29 = arith.constant 0 : index
    %get3A_30 = vector.load %arg1[%get3A_26, %get3A_27, %get3A_28, %get3A_29] : memref<1x2500x8x64xf32, #tpu.memory_space<vmem>>, vector<1x2500x1x64xf32>
    %get3A_31 = vector.shape_cast %get3A_30 : vector<1x2500x1x64xf32> to vector<2500x64xf32>
    %get3A_32 = arith.constant 2 : index
    %get3A_33 = arith.constant 0 : index
    %get3A_34 = arith.constant 0 : index
    %get3A_35 = vector.load %arg2[%get3A_32, %get3A_33, %get3A_34] : memref<8x64x128xf32, #tpu.memory_space<vmem>>, vector<1x64x128xf32>
    %get3A_36 = vector.shape_cast %get3A_35 : vector<1x64x128xf32> to vector<64x128xf32>
    %dot_general3A_37 = arith.constant dense<0.000000e+00> : vector<2500x128xf32>
    %dot_general3A_38 = tpu.matmul %get3A_31, %get3A_36, %dot_general3A_37 {dimension_numbers = #tpu.dot_dimension_numbers<[1], [0], [0], [1], [0, 0, 1, 1], [], []>, transpose_lhs_hint = false} : vector<2500x64xf32>, vector<64x128xf32>, vector<2500x128xf32> -> vector<2500x128xf32>
    %add3A_39 = arith.addf %add3A_25, %dot_general3A_38 : vector<2500x128xf32>
    %get3A_40 = arith.constant 0 : index
    %get3A_41 = arith.constant 0 : index
    %get3A_42 = arith.constant 3 : index
    %get3A_43 = arith.constant 0 : index
    %get3A_44 = vector.load %arg1[%get3A_40, %get3A_41, %get3A_42, %get3A_43] : memref<1x2500x8x64xf32, #tpu.memory_space<vmem>>, vector<1x2500x1x64xf32>
    %get3A_45 = vector.shape_cast %get3A_44 : vector<1x2500x1x64xf32> to vector<2500x64xf32>
    %get3A_46 = arith.constant 3 : index
    %get3A_47 = arith.constant 0 : index
    %get3A_48 = arith.constant 0 : index
    %get3A_49 = vector.load %arg2[%get3A_46, %get3A_47, %get3A_48] : memref<8x64x128xf32, #tpu.memory_space<vmem>>, vector<1x64x128xf32>
    %get3A_50 = vector.shape_cast %get3A_49 : vector<1x64x128xf32> to vector<64x128xf32>
    %dot_general3A_51 = arith.constant dense<0.000000e+00> : vector<2500x128xf32>
    %dot_general3A_52 = tpu.matmul %get3A_45, %get3A_50, %dot_general3A_51 {dimension_numbers = #tpu.dot_dimension_numbers<[1], [0], [0], [1], [0, 0, 1, 1], [], []>, transpose_lhs_hint = false} : vector<2500x64xf32>, vector<64x128xf32>, vector<2500x128xf32> -> vector<2500x128xf32>
    %add3A_53 = arith.addf %add3A_39, %dot_general3A_52 : vector<2500x128xf32>
    %get3A_54 = arith.constant 0 : index
    %get3A_55 = arith.constant 0 : index
    %get3A_56 = arith.constant 4 : index
    %get3A_57 = arith.constant 0 : index
    %get3A_58 = vector.load %arg1[%get3A_54, %get3A_55, %get3A_56, %get3A_57] : memref<1x2500x8x64xf32, #tpu.memory_space<vmem>>, vector<1x2500x1x64xf32>
    %get3A_59 = vector.shape_cast %get3A_58 : vector<1x2500x1x64xf32> to vector<2500x64xf32>
    %get3A_60 = arith.constant 4 : index
    %get3A_61 = arith.constant 0 : index
    %get3A_62 = arith.constant 0 : index
    %get3A_63 = vector.load %arg2[%get3A_60, %get3A_61, %get3A_62] : memref<8x64x128xf32, #tpu.memory_space<vmem>>, vector<1x64x128xf32>
    %get3A_64 = vector.shape_cast %get3A_63 : vector<1x64x128xf32> to vector<64x128xf32>
    %dot_general3A_65 = arith.constant dense<0.000000e+00> : vector<2500x128xf32>
    %dot_general3A_66 = tpu.matmul %get3A_59, %get3A_64, %dot_general3A_65 {dimension_numbers = #tpu.dot_dimension_numbers<[1], [0], [0], [1], [0, 0, 1, 1], [], []>, transpose_lhs_hint = false} : vector<2500x64xf32>, vector<64x128xf32>, vector<2500x128xf32> -> vector<2500x128xf32>
    %add3A_67 = arith.addf %add3A_53, %dot_general3A_66 : vector<2500x128xf32>
    %get3A_68 = arith.constant 0 : index
    %get3A_69 = arith.constant 0 : index
    %get3A_70 = arith.constant 5 : index
    %get3A_71 = arith.constant 0 : index
    %get3A_72 = vector.load %arg1[%get3A_68, %get3A_69, %get3A_70, %get3A_71] : memref<1x2500x8x64xf32, #tpu.memory_space<vmem>>, vector<1x2500x1x64xf32>
    %get3A_73 = vector.shape_cast %get3A_72 : vector<1x2500x1x64xf32> to vector<2500x64xf32>
    %get3A_74 = arith.constant 5 : index
    %get3A_75 = arith.constant 0 : index
    %get3A_76 = arith.constant 0 : index
    %get3A_77 = vector.load %arg2[%get3A_74, %get3A_75, %get3A_76] : memref<8x64x128xf32, #tpu.memory_space<vmem>>, vector<1x64x128xf32>
    %get3A_78 = vector.shape_cast %get3A_77 : vector<1x64x128xf32> to vector<64x128xf32>
    %dot_general3A_79 = arith.constant dense<0.000000e+00> : vector<2500x128xf32>
    %dot_general3A_80 = tpu.matmul %get3A_73, %get3A_78, %dot_general3A_79 {dimension_numbers = #tpu.dot_dimension_numbers<[1], [0], [0], [1], [0, 0, 1, 1], [], []>, transpose_lhs_hint = false} : vector<2500x64xf32>, vector<64x128xf32>, vector<2500x128xf32> -> vector<2500x128xf32>
    %add3A_81 = arith.addf %add3A_67, %dot_general3A_80 : vector<2500x128xf32>
    %get3A_82 = arith.constant 0 : index
    %get3A_83 = arith.constant 0 : index
    %get3A_84 = arith.constant 6 : index
    %get3A_85 = arith.constant 0 : index
    %get3A_86 = vector.load %arg1[%get3A_82, %get3A_83, %get3A_84, %get3A_85] : memref<1x2500x8x64xf32, #tpu.memory_space<vmem>>, vector<1x2500x1x64xf32>
    %get3A_87 = vector.shape_cast %get3A_86 : vector<1x2500x1x64xf32> to vector<2500x64xf32>
    %get3A_88 = arith.constant 6 : index
    %get3A_89 = arith.constant 0 : index
    %get3A_90 = arith.constant 0 : index
    %get3A_91 = vector.load %arg2[%get3A_88, %get3A_89, %get3A_90] : memref<8x64x128xf32, #tpu.memory_space<vmem>>, vector<1x64x128xf32>
    %get3A_92 = vector.shape_cast %get3A_91 : vector<1x64x128xf32> to vector<64x128xf32>
    %dot_general3A_93 = arith.constant dense<0.000000e+00> : vector<2500x128xf32>
    %dot_general3A_94 = tpu.matmul %get3A_87, %get3A_92, %dot_general3A_93 {dimension_numbers = #tpu.dot_dimension_numbers<[1], [0], [0], [1], [0, 0, 1, 1], [], []>, transpose_lhs_hint = false} : vector<2500x64xf32>, vector<64x128xf32>, vector<2500x128xf32> -> vector<2500x128xf32>
    %add3A_95 = arith.addf %add3A_81, %dot_general3A_94 : vector<2500x128xf32>
    %get3A_96 = arith.constant 0 : index
    %get3A_97 = arith.constant 0 : index
    %get3A_98 = arith.constant 7 : index
    %get3A_99 = arith.constant 0 : index
    %get3A_100 = vector.load %arg1[%get3A_96, %get3A_97, %get3A_98, %get3A_99] : memref<1x2500x8x64xf32, #tpu.memory_space<vmem>>, vector<1x2500x1x64xf32>
    %get3A_101 = vector.shape_cast %get3A_100 : vector<1x2500x1x64xf32> to vector<2500x64xf32>
    %get3A_102 = arith.constant 7 : index
    %get3A_103 = arith.constant 0 : index
    %get3A_104 = arith.constant 0 : index
    %get3A_105 = vector.load %arg2[%get3A_102, %get3A_103, %get3A_104] : memref<8x64x128xf32, #tpu.memory_space<vmem>>, vector<1x64x128xf32>
    %get3A_106 = vector.shape_cast %get3A_105 : vector<1x64x128xf32> to vector<64x128xf32>
    %dot_general3A_107 = arith.constant dense<0.000000e+00> : vector<2500x128xf32>
    %dot_general3A_108 = tpu.matmul %get3A_101, %get3A_106, %dot_general3A_107 {dimension_numbers = #tpu.dot_dimension_numbers<[1], [0], [0], [1], [0, 0, 1, 1], [], []>, transpose_lhs_hint = false} : vector<2500x64xf32>, vector<64x128xf32>, vector<2500x128xf32> -> vector<2500x128xf32>
    %add3A_109 = arith.addf %add3A_95, %dot_general3A_108 : vector<2500x128xf32>
    %reshape3A = vector.shape_cast %add3A_109 : vector<2500x128xf32> to vector<1x2500x128xf32>
    %swap3A = arith.constant 0 : index
    %swap3A_110 = arith.constant 0 : index
    %swap3A_111 = arith.constant 0 : index
    %swap3A_112 = vector.load %arg3[%swap3A, %swap3A_110, %swap3A_111] : memref<1x2500x128xf32, #tpu.memory_space<vmem>>, vector<1x2500x128xf32>
    tpu.vector_store %arg3[%swap3A, %swap3A_110, %swap3A_111], %reshape3A {strides = array<i32>} : memref<1x2500x128xf32, #tpu.memory_space<vmem>>, vector<1x2500x128xf32>,
    return
  }
  func.func @transform_0(%arg0: i32) -> (i32, i32, i32, i32) {
    %c0_i32 = arith.constant 0 : i32
    %c0_i32_0 = arith.constant 0 : i32
    %c0_i32_1 = arith.constant 0 : i32
    %c0_i32_2 = arith.constant 0 : i32
    return %arg0, %c0_i32, %c0_i32_0, %c0_i32_1 : i32, i32, i32, i32
  }
  func.func @transform_1(%arg0: i32) -> (i32, i32, i32) {
    %c0_i32 = arith.constant 0 : i32
    %c0_i32_0 = arith.constant 0 : i32
    %c0_i32_1 = arith.constant 0 : i32
    %c0_i32_2 = arith.constant 0 : i32
    return %c0_i32, %c0_i32_0, %c0_i32_1 : i32, i32, i32
  }
  func.func @transform_2(%arg0: i32) -> (i32, i32, i32) {
    %c0_i32 = arith.constant 0 : i32
    %c0_i32_0 = arith.constant 0 : i32
    %c0_i32_1 = arith.constant 0 : i32
    return %arg0, %c0_i32, %c0_i32_0 : i32, i32, i32
  }
}

</mosaic_0001>

<sc_bundles>
// kernel: kernel.4.cloned.1.call-start
scs
__scs_entry_jumppad:
0x0: {  	(pc) =	sbr.rel $0x88, $3  }
0x1: {  	(tag) =	ssettag $0x0;
	lr =	simm.s32 $0x1  }
0x2: {  	[smem:$0x3F9D] =	sst lr;
	_ =	strace $0xD0000000  }
0x3: {  	_ = 	snop  }
0x4: {  	_ = 	snop  }
0x5: {  	_ = 	snop  }
0x6: {  	_ = 	snop  }
0x7: {  	_ = 	snop  }
__scs_overlays_trampoline_lowered:
0x8: {  	[smem:$0x3FAC] =	sst s0  }
0x9: {  	[smem:$0x3FAD] =	sst s1  }
0xa: {  	[smem:$0x3FAE] =	sst s2  }
0xb: {  	[smem:$0x3FAF] =	sst s3  }
0xc: {  	[smem:$0x3FB0] =	sst s4  }
0xd: {  	[smem:$0x3FB1] =	sst s5  }
0xe: {  	[smem:$0x3FB2] =	sst s6  }
0xf: {  	[smem:$0x3FB3] =	sst s7  }
0x10: {  	[smem:$0x3FB4] =	sst s8  }
0x11: {  	[smem:$0x3FB5] =	sst s9;
	s0 =	simm.s32 @!p0 $0x0  }
0x12: {  	s1 =	sld [smem:$0x3F9B];
	s0 =	simm.s32 @p0 $0x1  }
0x13: {  	[smem:$0x3FB6] =	sst s0;
	s0 =	simm.s32 @!p1 $0x0  }
0x14: {  	s2 =	sld [smem:$0x3F9A];
	s0 =	simm.s32 @p1 $0x1  }
0x15: {  	[smem:$0x3FB7] =	sst s0;
	s0 =	simm.s32 @!p2 $0x0  }
0x16: {  	s3 =	sld [smem:$0x3FDB];
	s0 =	simm.s32 @p2 $0x1  }
0x17: {  	s4 =	simm.s32 $0x1BF5;
	[smem:$0x3FB9] =	sst s0  }
0x18: {  	s0 =	sld [smem:$0x3F9C];
	_ =	swait.ge [sflag:s4], $0x0  }
0x19: {  	s7 =	sld [smem:$0x3F9D]  }
0x1a: {  	s8 =	sadd.s32 $0xFFFFE003, lr  }
0x1b: {  	s9 =	sadd.s32 $0xFFFFFEF7, lr;
	s5 =	simm.s32 $0xFFFFFFFF;
	p2 =	slt.u32 s8, $0xFFFFF086  }
0x1c: {  	p1 =	slt.u32 s9, $0xF7A;
	s5 =	simm.s32 @!p2 $0x0  }
0x1d: {  	s5 =	simm.s32 @p1 $0x1;
	p0 =	seq.s32 s7, s2  }
0x1e: {  	s7 =	smul.u32 @!p0 $0xF7A, s2;
	p2 =	seq.s32 @!p0 s5, $0x0  }
0x1f: {  	s9 =	smul.u32 $0xF7A, s1;
	s8 =	simm.s32 @!p0 $0x1BF5;
	p2 =	por !p2, p0  }
0x20: {  	[sflag:s8] =	ssyncset.s32 @!p0 $0xFFFFF086;
	s6 =	sadd.s32 @!p0 s3, s7;
	s7 =	simm.s32 @!p0 $0x108  }
0x21: {  	s3 =	sadd.s32 s3, s9;
	s6 =	sadd.s32 @!p0 $0x88, s6;
	s7 =	simm.s32 @p2 $0x1082  }
0x22: {  	[simem:s7], [sflag:s8] =	dma.local @!p0 [hbm:s6], $0xF7A  }
0x23: {  	s9 =	sor.u32 $0xD0000000, s2;
	s6 =	simm.s32 $0x108;
	_ =	swait.ge @!p0 [sflag:s8], $0x0  }
0x24: {  	s3 =	sadd.s32 $0x88, s3;
	s6 =	simm.s32 @!p1 $0x1082;
	[sflag:s4] =	ssyncset.s32 $0xFFFFF086  }
0x25: {  	[simem:s6], [sflag:s4] =	dma.local [hbm:s3], $0xF7A  }
0x26: {  	[smem:$0x3F9D] =	sst s1;
	(tag) =	ssettag s2;
	_ =	strace s9  }
0x27: {  	s1 =	sld [smem:$0x3FAD]  }
0x28: {  	s2 =	sld [smem:$0x3FAE]  }
0x29: {  	s4 =	sld [smem:$0x3FB0]  }
0x2a: {  	p0 =	seq.s32 s5, $0x0;
	s5 =	sld [smem:$0x3FB1]  }
0x2b: {  	s6 =	sld [smem:$0x3FB2]  }
0x2c: {  	s7 =	sld [smem:$0x3FB3]  }
0x2d: {  	s3 =	simm.s32 $0x108;
	s8 =	sld [smem:$0x3FB4]  }
0x2e: {  	s3 =	simm.s32 @!p0 $0x1082;
	s9 =	sld [smem:$0x3FB5]  }
0x2f: {  	lr =	sadd.s32 s0, s3;
	s0 =	sld [smem:$0x3FAC]  }
0x30: {  	s3 =	sld [smem:$0x3FAF]  }
0x31: {  	[smem:$0x3FB8] =	sst s10  }
0x32: {  	s10 =	sld [smem:$0x3FB6];
	_ =	sdelay $0x3  }
0x33: {  	p0 =	seq.s32 s10, $0x1;
	s10 =	sld [smem:$0x3FB8];
	_ =	sdelay $0x3  }
0x34: {  	[smem:$0x3FB8] =	sst s10  }
0x35: {  	s10 =	sld [smem:$0x3FB7];
	_ =	sdelay $0x3  }
0x36: {  	p1 =	seq.s32 s10, $0x1;
	s10 =	sld [smem:$0x3FB8];
	_ =	sdelay $0x3  }
0x37: {  	[smem:$0x3FB8] =	sst s10  }
0x38: {  	s10 =	sld [smem:$0x3FB9]  }
0x39: {  	_ = 	snop;
	(pc) =	sbr.ind lr, $3  }
0x3a: {  	_ = 	snop  }
0x3b: {  	_ = 	snop  }
0x3c: {  	p2 =	seq.s32 s10, $0x1;
	s10 =	sld [smem:$0x3FB8]  }
0x3d: {  	_ =	shalt  }
0x3e: {  	_ =	shalt  }
0x3f: {  	_ =	shalt  }
0x40: {  	_ =	shalt  }
0x41: {  	_ =	shalt  }
0x42: {  	_ =	shalt  }
0x43: {  	_ =	shalt  }
0x44: {  	_ =	shalt  }
0x45: {  	_ =	shalt  }
0x46: {  	_ =	shalt  }
0x47: {  	_ =	shalt  }
0x48: {  	_ =	shalt  }
0x49: {  	_ =	shalt  }
0x4a: {  	_ =	shalt  }
0x4b: {  	_ =	shalt  }
0x4c: {  	_ =	shalt  }
0x4d: {  	_ =	shalt  }
0x4e: {  	_ =	shalt  }
0x4f: {  	_ =	shalt  }
0x50: {  	_ =	shalt  }
0x51: {  	_ =	shalt  }
0x52: {  	_ =	shalt  }
0x53: {  	_ =	shalt  }
0x54: {  	_ =	shalt  }
0x55: {  	_ =	shalt  }
0x56: {  	_ =	shalt  }
0x57: {  	_ =	shalt  }
0x58: {  	_ =	shalt  }
0x59: {  	_ =	shalt  }
0x5a: {  	_ =	shalt  }
0x5b: {  	_ =	shalt  }
0x5c: {  	_ =	shalt  }
0x5d: {  	_ =	shalt  }
0x5e: {  	_ =	shalt  }
0x5f: {  	_ =	shalt  }
0x60: {  	_ =	shalt  }
0x61: {  	_ =	shalt  }
0x62: {  	_ =	shalt  }
0x63: {  	_ =	shalt  }
0x64: {  	_ =	shalt  }
0x65: {  	_ =	shalt  }
0x66: {  	_ =	shalt  }
0x67: {  	_ =	shalt  }
0x68: {  	_ =	shalt  }
0x69: {  	_ =	shalt  }
0x6a: {  	_ =	shalt  }
0x6b: {  	_ =	shalt  }
0x6c: {  	_ =	shalt  }
0x6d: {  	_ =	shalt  }
0x6e: {  	_ =	shalt  }
0x6f: {  	_ =	shalt  }
0x70: {  	_ =	shalt  }
0x71: {  	_ =	shalt  }
0x72: {  	_ =	shalt  }
0x73: {  	_ =	shalt  }
0x74: {  	_ =	shalt  }
0x75: {  	_ =	shalt  }
0x76: {  	_ =	shalt  }
0x77: {  	_ =	shalt  }
0x78: {  	_ =	shalt  }
0x79: {  	_ =	shalt  }
0x7a: {  	_ =	shalt  }
0x7b: {  	_ =	shalt  }
0x7c: {  	_ =	shalt  }
0x7d: {  	_ =	shalt  }
0x7e: {  	_ =	shalt  }
0x7f: {  	_ =	shalt  }
0x80: {  	_ =	shalt  }
0x81: {  	_ =	shalt  }
0x82: {  	_ =	shalt  }
0x83: {  	_ =	shalt  }
0x84: {  	_ =	shalt  }
0x85: {  	_ =	shalt  }
0x86: {  	_ =	shalt  }
0x87: {  	_ =	shalt  }
.Lfunc_end0:
.L_simem_size_0:
called_computation_lowered:
.L_overlay_start_0:
0x88: {  	s2 =	sld [smem:$0x3FD9]  }
0x89: {  	s3 =	sld [smem:$0x3FFE];
	_ =	sdelay $0x1  }
0x8a: {  	s1 =	srdreg.scid  }
0x8b: {  	s0 =	sand.u32 $0x1, s1  }
0x8c: {  	s17 =	sshll.u32 s0, $0xA;
	s2 =	sadd.s32 s3, s2  }
0x8d: {  	s2 =	sadd.s32 s2, s17  }
0x8e: {  	[smem:$0x3FC4] =	sst s2  }
0x8f: {  	_ = 	snop  }
0x90: {  	s2 =	sld [smem:$0x3FD0];
	(tm) =	ssettm $0x1  }
0x91: {  	s18 =	sld [smem:$0x3FFB];
	_ =	sdelay $0x3  }
0x92: {  	_ =	strace s18  }
0x93: {  	s3 =	sld [smem:$0x3FFC];
	_ =	sdelay $0x3  }
0x94: {  	_ =	strace s3  }
0x95: {  	s3 =	sld [smem:$0x3FFD];
	_ =	sdelay $0x3  }
0x96: {  	_ =	strace s3  }
0x97: {  	_ =	strace $0x8FFFFFFF  }
0x98: {  	s19 =	sld [smem:$0x3FDB];
	_ =	sdelay $0x1  }
0x99: {  	s4 =	simm.s32 $_scs_section_size  }
0x9a: {  	s5 =	simm.s32 $_size__tile_overlayer_lowered;
	s6 =	simm.s32 $_tile_overlayer_lowered  }
0x9b: {  	s22 =	simm.s32 $0x1BFF;
	s21 =	sshll.u32 s6, $0x1;
	s3 =	sadd.s32 s4, s19  }
0x9c: {  	s7 =	simm.s32 $0x0;
	s20 =	sshll.u32 s5, $0x1;
	s5 =	sadd.s32 s21, s3  }
0x9d: {  	[timem:s7], [sflag:s22] =	dma.local [hbm:s5], s20  }
0x9e: {  	_ =	swait.ge [sflag:s22], s20  }
0x9f: {  	s4 =	ssub.s32 $0x0, s20;
	[sflag:s22] =	ssyncset.done $0x0  }
0xa0: {  	[sflag:s22] =	ssyncadd.s32 s4;
	_ =	sdelay $0x1  }
0xa1: {  	s23 =	simm.s32 $0x1B8B  }
0xa2: {  	_ =	swait.ge [sflag:s23], $0x1  }
0xa3: {  	[sflag:s23] =	ssyncset.done $0x0  }
0xa4: {  	s25 =	simm.s32 $0x1B8E;
	s24 =	sld [smem:$0x3FFE];
	[sflag:s23] =	ssyncadd.s32 $0xFFFFFFFF  }
0xa5: {  	s26 =	simm.s32 $execute0_lowered;
	[smem:$0x3FD2] =	sst s25  }
0xa6: {  	s5 =	sshll.u32 s26, $0x1;
	_ =	strace $0x80000046;
	[dreg:$0x1] =	wrdreg $0xFFFFFFFF  }
0xa7: {  	s28 =	simm.s32 $_size_execute0_lowered;
	s3 =	sadd.s32 s3, s5;
	[dreg:$0x0] =	wrdreg $0x0  }
0xa8: {  	s5 =	sshll.u32 s28, $0x1;
	[dreg:$0x2] =	wrdreg s3  }
0xa9: {  	[dreg:$0x3] =	wrdreg s5  }
0xaa: {  	[dreg:$0x4] =	wrdreg $0xC0  }
0xab: {  	_ =	task [dreg:s7], $0x5FFFF  }
0xac: {  	[dreg:$0x1] =	wrdreg $0xFFFFFFFF  }
0xad: {  	[dreg:$0x0] =	wrdreg $0x60  }
0xae: {  	[dreg:$0x2] =	wrdreg s24  }
0xaf: {  	[dreg:$0x3] =	wrdreg s2  }
0xb0: {  	[dreg:$0x4] =	wrdreg $0x9  }
0xb1: {  	_ =	task.clear_ibuf [dreg:s7], $0x5FFFF;
	_ =	strace $0x90000046  }
0xb2: {  	s29 =	simm.s32 $0x9;
	_ =	strace $0x80000048  }
0xb3: {  	_ =	swait.ge [sflag:s29], $0x1  }
0xb4: {  	[sflag:s29] =	ssyncadd.s32 $0xFFFFFFFF  }
0xb5: {  	_ =	strace $0x90000048  }
0xb6: {  	_ =	sfence  }
0xb7: {  	s30 =	sld [smem:$0x0];
	_ =	sdelay $0x2  }
0xb8: {  	s31 =	sshll.u32 s1, $0xD;
	s1 =	sshrl.u32 s1, $0x2  }
0xb9: {  	s3 =	sand.u32 $0x4000, s31;
	s1 =	sadd.s32 s1, s30  }
0xba: {  	s0 =	sor.u32 s3, s0;
	s1 =	sshll.u32 s1, $0x11  }
0xbb: {  	s0 =	sor.u32 s1, s0  }
0xbc: {  	s0 =	sadd.s32 $0x8F2B, s0  }
0xbd: {  	[sflag:s0] =	ssyncadd.remote.s32 $0x1  }
0xbe: {  	_ =	sfence.sel $0xFFFF  }
0xbf: {  	[dreg:$0x0] =	wrdreg $0xFFFFFFFF;
	(pc) =	sbr.abs _section_cstart, $3  }
0xc0: {  	[dreg:$0x1] =	wrdreg $0xFFFFFFFF  }
0xc1: {  	_ =	task.clear_ibuf [dreg:s7], $0x2FFFF;
	_ =	strace $0x9FFFFFFF  }
0xc2: {  	(tm) =	ssettm $0x7FFFFFFF  }
0xc3: {  	_ =	shalt  }
tec
execute0_lowered:
.L_overlay_start_1:
0x0: {  	(tag) =	ssettag $0x1  }
0x1: {  	s0 =	srdreg.scid  }
0x2: {  	s2 =	stileid.u32;
	s1 =	rddreg [dreg:$0x0];
	s3 =	simm.s32 $0x0  }
0x3: {  	s8 =	simm.s32 $0x2;
	s10 =	simm.s32 $0x64;
	s18 =	simm.s32 $0x7E00  }
0x4: {  	s19 =	simm.s32 $0x6E8;
	s20 =	simm.s32 $0x8440;
	s21 =	simm.s32 $0x750  }
0x5: {  	s22 =	simm.s32 $0x8A80;
	s23 =	simm.s32 $0x7B8;
	s24 =	simm.s32 $0x90C0  }
0x6: {  	s25 =	simm.s32 $0x820;
	s26 =	simm.s32 $0x9700;
	s28 =	simm.s32 $0x888  }
0x7: {  	s29 =	simm.s32 $0x9D40;
	s30 =	simm.s32 $0x8F0;
	s31 =	simm.s32 $0xA380  }
0x8: {  	s9 =	simm.s32 $0x1AA00;
	s0 =	sand.u32 $0x1, s0;
	s2 =	sshll.u32 s2, $0x1  }
0x9: {  	s11 =	simm.s32 $0x0;
	s2 =	sor.u32 s0, s2;
	s0 =	ssub.s32 $0x2, s0  }
0xa: {  	[smem:$0x7FF] =	sst s3;
	s4 =	smul.u32 $0x340, s2;
	s6 =	sshrl.u32 s0, $0x1  }
0xb: {  	_ =	strace $0x80000047;
	s2 =	sshll.u32 s2, $0x8;
	s0 =	ssub.s32 s0, s6  }
0xc: {  	s5 =	sadd.s32 s4, s1;
	s4 =	sadd.s32 $0x800, s1;
	s1 =	sadd.s32 s2, s1  }
0xd: {  	s7 =	smax.u32 s0, $0x1;
	s0 =	simm.s32 $0xA9C0;
	s2 =	simm.s32 $0x1  }
0xe: {  	s5 =	sadd.s32 $0x31600, s5;
	s6 =	sadd.s32 $0x37E00, s1;
	s1 =	simm.s32 $0x958  }
.LBB2_1:
0xf: {  	[tilespmem:s3], [sflag:$0x2] =	stream.linear.gather [hbm4b:s5+s3], $0x1A00, $0x38;
	[tilespmem:$0x1B210] =	vst v63  }
0x10: {  	_ =	swait.ge [sflag:s8], $0x1A00  }
0x11: {  	[sflag:s8] =	ssyncset.done $0x0  }
0x12: {  	[sflag:s8] =	ssyncadd.s32 $0xFFFFE600  }
0x13: {  	s13 =	simm.s32 $0x1B200;
	s12 =	rddreg [dreg:$0x1]  }
0x14: {  	[tilespmem:s13], [sflag:$0x2] =	stream.linear.gather [hbm4b:s12+s3], $0x10, $0x38;
	[tilespmem:$0x1B210] =	vst v63  }
0x15: {  	_ =	swait.ge [sflag:s8], $0x10  }
0x16: {  	[sflag:s8] =	ssyncset.done $0x0  }
0x17: {  	s12 =	simm.s32 $0x1A00;
	[sflag:s8] =	ssyncadd.s32 $0xFFFFFFF0  }
0x18: {  	v0 =	vld [tilespmem:$0x1B200];
	[tilespmem:s12], [sflag:$0x1] =	stream.indirect.gather [hbm4b:s4+s10], $0x10, s3, s10, $0xb8  }
0x19: {  	s15 =	simm.s32 $0x68;
	s14 =	simm.s32 $0x2040  }
0x1a: {  	[tilespmem:s14], [sflag:$0x1] =	stream.indirect.gather [hbm4b:s4+s10], $0x10, s15, s10, $0xb8;
	[tilespmem:$0x1B210] =	vst v63  }
0x1b: {  	s16 =	simm.s32 $0xD0;
	s17 =	simm.s32 $0x2680  }
0x1c: {  	[tilespmem:s17], [sflag:$0x1] =	stream.indirect.gather [hbm4b:s4+s10], $0x10, s16, s10, $0xb8;
	[tilespmem:$0x1B210] =	vst v63  }
0x1d: {  	s14 =	simm.s32 $0x138;
	s15 =	simm.s32 $0x2CC0  }
0x1e: {  	[tilespmem:s15], [sflag:$0x1] =	stream.indirect.gather [hbm4b:s4+s10], $0x10, s14, s10, $0xb8;
	[tilespmem:$0x1B210] =	vst v63  }
0x1f: {  	s16 =	simm.s32 $0x1A0;
	s17 =	simm.s32 $0x3300  }
0x20: {  	[tilespmem:s17], [sflag:$0x1] =	stream.indirect.gather [hbm4b:s4+s10], $0x10, s16, s10, $0xb8;
	[tilespmem:$0x1B210] =	vst v63  }
0x21: {  	s14 =	simm.s32 $0x208;
	s15 =	simm.s32 $0x3940  }
0x22: {  	[tilespmem:s15], [sflag:$0x1] =	stream.indirect.gather [hbm4b:s4+s10], $0x10, s14, s10, $0xb8;
	[tilespmem:$0x1B210] =	vst v63  }
0x23: {  	s16 =	simm.s32 $0x270;
	s17 =	simm.s32 $0x3F80  }
0x24: {  	[tilespmem:s17], [sflag:$0x1] =	stream.indirect.gather [hbm4b:s4+s10], $0x10, s16, s10, $0xb8;
	[tilespmem:$0x1B210] =	vst v63  }
0x25: {  	s14 =	simm.s32 $0x2D8;
	s15 =	simm.s32 $0x45C0  }
0x26: {  	[tilespmem:s15], [sflag:$0x1] =	stream.indirect.gather [hbm4b:s4+s10], $0x10, s14, s10, $0xb8;
	[tilespmem:$0x1B210] =	vst v63  }
0x27: {  	s16 =	simm.s32 $0x340;
	s17 =	simm.s32 $0x4C00  }
0x28: {  	[tilespmem:s17], [sflag:$0x1] =	stream.indirect.gather [hbm4b:s4+s10], $0x10, s16, s10, $0xb8;
	[tilespmem:$0x1B210] =	vst v63  }
0x29: {  	s14 =	simm.s32 $0x3A8;
	s15 =	simm.s32 $0x5240  }
0x2a: {  	[tilespmem:s15], [sflag:$0x1] =	stream.indirect.gather [hbm4b:s4+s10], $0x10, s14, s10, $0xb8;
	[tilespmem:$0x1B210] =	vst v63  }
0x2b: {  	s16 =	simm.s32 $0x410;
	s17 =	simm.s32 $0x5880  }
0x2c: {  	[tilespmem:s17], [sflag:$0x1] =	stream.indirect.gather [hbm4b:s4+s10], $0x10, s16, s10, $0xb8;
	[tilespmem:$0x1B210] =	vst v63  }
0x2d: {  	s14 =	simm.s32 $0x478;
	s15 =	simm.s32 $0x5EC0  }
0x2e: {  	[tilespmem:s15], [sflag:$0x1] =	stream.indirect.gather [hbm4b:s4+s10], $0x10, s14, s10, $0xb8;
	[tilespmem:$0x1B210] =	vst v63  }
0x2f: {  	s16 =	simm.s32 $0x4E0;
	s17 =	simm.s32 $0x6500  }
0x30: {  	[tilespmem:s17], [sflag:$0x1] =	stream.indirect.gather [hbm4b:s4+s10], $0x10, s16, s10, $0xb8;
	[tilespmem:$0x1B210] =	vst v63  }
0x31: {  	s14 =	simm.s32 $0x548;
	s15 =	simm.s32 $0x6B40  }
0x32: {  	[tilespmem:s15], [sflag:$0x1] =	stream.indirect.gather [hbm4b:s4+s10], $0x10, s14, s10, $0xb8;
	[tilespmem:$0x1B210] =	vst v63  }
0x33: {  	s16 =	simm.s32 $0x5B0;
	s17 =	simm.s32 $0x7180  }
0x34: {  	[tilespmem:s17], [sflag:$0x1] =	stream.indirect.gather [hbm4b:s4+s10], $0x10, s16, s10, $0xb8;
	[tilespmem:$0x1B210] =	vst v63  }
0x35: {  	s15 =	simm.s32 $0x618;
	s16 =	simm.s32 $0x77C0  }
0x36: {  	[tilespmem:s16], [sflag:$0x1] =	stream.indirect.gather [hbm4b:s4+s10], $0x10, s15, s10, $0xb8;
	[tilespmem:$0x1B210] =	vst v63  }
0x37: {  	s17 =	simm.s32 $0x680  }
0x38: {  	[tilespmem:s18], [sflag:$0x1] =	stream.indirect.gather [hbm4b:s4+s10], $0x10, s17, s10, $0xb8;
	[tilespmem:$0x1B210] =	vst v63  }
0x39: {  	_ = 	snop  }
0x3a: {  	[tilespmem:s20], [sflag:$0x1] =	stream.indirect.gather [hbm4b:s4+s10], $0x10, s19, s10, $0xb8;
	[tilespmem:$0x1B210] =	vst v63  }
0x3b: {  	_ = 	snop  }
0x3c: {  	[tilespmem:s22], [sflag:$0x1] =	stream.indirect.gather [hbm4b:s4+s10], $0x10, s21, s10, $0xb8;
	[tilespmem:$0x1B210] =	vst v63  }
0x3d: {  	_ = 	snop  }
0x3e: {  	[tilespmem:s24], [sflag:$0x1] =	stream.indirect.gather [hbm4b:s4+s10], $0x10, s23, s10, $0xb8;
	[tilespmem:$0x1B210] =	vst v63  }
0x3f: {  	_ = 	snop  }
0x40: {  	[tilespmem:s26], [sflag:$0x1] =	stream.indirect.gather [hbm4b:s4+s10], $0x10, s25, s10, $0xb8;
	[tilespmem:$0x1B210] =	vst v63  }
0x41: {  	_ = 	snop  }
0x42: {  	[tilespmem:s29], [sflag:$0x1] =	stream.indirect.gather [hbm4b:s4+s10], $0x10, s28, s10, $0xb8;
	[tilespmem:$0x1B210] =	vst v63  }
0x43: {  	_ = 	snop  }
0x44: {  	[tilespmem:s31], [sflag:$0x1] =	stream.indirect.gather [hbm4b:s4+s10], $0x10, s30, s10, $0xb8;
	[tilespmem:$0x1B210] =	vst v63  }
0x45: {  	s13 =	simm.s32 $0x2700;
	s14 =	simm.s32 $0x1AA10  }
0x46: {  	[tilespmem:s0], [sflag:$0x1] =	stream.indirect.gather [hbm4b:s4+s10], $0x10, s1, s10, $0xb8;
	[tilespmem:$0x1B210] =	vst v63  }
.LBB2_2:
0x47: {  	s15 =	sadd.s32 $0x9600, s12;
	s16 =	sshra.s32 s13, $0x2  }
0x48: {  	[tilespmem:s15], [sflag:$0x1] =	stream.indirect.gather [hbm4b:s4+s10], $0x10, s16, s10, $0xb8;
	[tilespmem:$0x1B210] =	vst v63  }
0x49: {  	_ =	swait.ge [sflag:s2], $0x640  }
0x4a: {  	[sflag:s2] =	ssyncset.done $0x0  }
0x4b: {  	[sflag:s2] =	ssyncadd.s32 $0xFFFFF9C0  }
0x4c: {  	v1 =	vld [tilespmem:s12+$0x0]  }
0x4d: {  	v2 =	vld [tilespmem:s12+$0x10]  }
0x4e: {  	v3 =	vld [tilespmem:s12+$0x20]  }
0x4f: {  	v4 =	vld [tilespmem:s12+$0x30]  }
0x50: {  	v5 =	vld [tilespmem:s12+$0x40]  }
0x51: {  	v6 =	vld [tilespmem:s12+$0x50]  }
0x52: {  	v7 =	vld [tilespmem:s12+$0x60]  }
0x53: {  	v8 =	vld [tilespmem:s12+$0x70]  }
0x54: {  	v9 =	vld [tilespmem:s12+$0x80]  }
0x55: {  	v10 =	vld [tilespmem:s12+$0x90]  }
0x56: {  	v11 =	vld [tilespmem:s12+$0xA0]  }
0x57: {  	v12 =	vld [tilespmem:s12+$0xB0]  }
0x58: {  	v13 =	vld [tilespmem:s12+$0xC0]  }
0x59: {  	v14 =	vld [tilespmem:s12+$0xD0]  }
0x5a: {  	v15 =	vld [tilespmem:s12+$0xE0]  }
0x5b: {  	v16 =	vld [tilespmem:s12+$0xF0]  }
0x5c: {  	v17 =	vld [tilespmem:s12+$0x100]  }
0x5d: {  	v18 =	vld [tilespmem:s12+$0x110]  }
0x5e: {  	v19 =	vld [tilespmem:s12+$0x120]  }
0x5f: {  	v20 =	vld [tilespmem:s12+$0x130]  }
0x60: {  	v21 =	vld [tilespmem:s12+$0x140]  }
0x61: {  	v22 =	vld [tilespmem:s12+$0x150]  }
0x62: {  	v23 =	vld [tilespmem:s12+$0x160]  }
0x63: {  	v24 =	vld [tilespmem:s12+$0x170]  }
0x64: {  	v25 =	vld [tilespmem:s12+$0x180]  }
0x65: {  	v26 =	vld [tilespmem:s12+$0x190]  }
0x66: {  	v27 =	vld [tilespmem:s12+$0x1A0]  }
0x67: {  	v28 =	vld [tilespmem:s12+$0x1B0]  }
0x68: {  	v29 =	vld [tilespmem:s12+$0x1C0]  }
0x69: {  	v30 =	vld [tilespmem:s12+$0x1D0]  }
0x6a: {  	v31 =	vld [tilespmem:s12+$0x1E0]  }
0x6b: {  	v32 =	vld [tilespmem:s12+$0x1F0]  }
0x6c: {  	v59 =	vld [tilespmem:s12+$0x200];
	v1 =	vadd.f32 v5, v1;
	v2 =	vadd.f32 v6, v2  }
0x6d: {  	v60 =	vld [tilespmem:s12+$0x210];
	v3 =	vadd.f32 v7, v3;
	v4 =	vadd.f32 v8, v4  }
0x6e: {  	v61 =	vld [tilespmem:s12+$0x220];
	v1 =	vadd.f32 v9, v1;
	v2 =	vadd.f32 v10, v2  }
0x6f: {  	v62 =	vld [tilespmem:s12+$0x230];
	v3 =	vadd.f32 v11, v3;
	v4 =	vadd.f32 v12, v4  }
0x70: {  	v63 =	vld [tilespmem:s12+$0x240];
	v1 =	vadd.f32 v13, v1;
	v2 =	vadd.f32 v14, v2  }
0x71: {  	v33 =	vld [tilespmem:s12+$0x250];
	v3 =	vadd.f32 v15, v3;
	v4 =	vadd.f32 v16, v4  }
0x72: {  	v34 =	vld [tilespmem:s12+$0x260];
	v1 =	vadd.f32 v17, v1;
	v2 =	vadd.f32 v18, v2  }
0x73: {  	v35 =	vld [tilespmem:s12+$0x270];
	v3 =	vadd.f32 v19, v3;
	v4 =	vadd.f32 v20, v4  }
0x74: {  	v36 =	vld [tilespmem:s12+$0x280];
	v1 =	vadd.f32 v21, v1;
	v2 =	vadd.f32 v22, v2  }
0x75: {  	v37 =	vld [tilespmem:s12+$0x290];
	v3 =	vadd.f32 v23, v3;
	v4 =	vadd.f32 v24, v4  }
0x76: {  	v38 =	vld [tilespmem:s12+$0x2A0];
	v1 =	vadd.f32 v25, v1;
	v2 =	vadd.f32 v26, v2  }
0x77: {  	v39 =	vld [tilespmem:s12+$0x2B0];
	v3 =	vadd.f32 v27, v3;
	v4 =	vadd.f32 v28, v4  }
0x78: {  	v40 =	vld [tilespmem:s12+$0x2C0];
	v1 =	vadd.f32 v29, v1;
	v2 =	vadd.f32 v30, v2  }
0x79: {  	v41 =	vld [tilespmem:s12+$0x2D0];
	v3 =	vadd.f32 v31, v3;
	v4 =	vadd.f32 v32, v4  }
0x7a: {  	v42 =	vld [tilespmem:s12+$0x2E0];
	v1 =	vadd.f32 v59, v1;
	v2 =	vadd.f32 v60, v2  }
0x7b: {  	v43 =	vld [tilespmem:s12+$0x2F0];
	v3 =	vadd.f32 v61, v3;
	v4 =	vadd.f32 v62, v4  }
0x7c: {  	v44 =	vld [tilespmem:s12+$0x300];
	v1 =	vadd.f32 v63, v1;
	v2 =	vadd.f32 v33, v2  }
0x7d: {  	v45 =	vld [tilespmem:s12+$0x310];
	v3 =	vadd.f32 v34, v3;
	v4 =	vadd.f32 v35, v4  }
0x7e: {  	v1 =	vadd.f32 v36, v1;
	v2 =	vadd.f32 v37, v2  }
0x7f: {  	v3 =	vadd.f32 v38, v3;
	v4 =	vadd.f32 v39, v4  }
0x80: {  	v1 =	vadd.f32 v40, v1;
	v2 =	vadd.f32 v41, v2  }
0x81: {  	v3 =	vadd.f32 v42, v3;
	v4 =	vadd.f32 v43, v4  }
0x82: {  	v1 =	vadd.f32 v44, v1;
	v2 =	vadd.f32 v45, v2;
	_ =	sdelay $0x1  }
0x83: {  	v1 =	vadd.f32 v2, v1;
	v2 =	vadd.f32 v4, v3;
	_ =	sdelay $0x1  }
0x84: {  	v1 =	vadd.f32 v1, v2;
	_ =	sdelay $0x1  }
0x85: {  	v1 =	vmul.f32 $1.999999960e-02, v1;
	_ =	sdelay $0x1  }
0x86: {  	v1 =	vadd.f32 v1, v0;
	_ =	sdelay $0x1  }
0x87: {  	(v2sf) =	vpush v1, $0x0  }
0x88: {  	(v2sf) =	vpush v1, $0x1;
	_ =	sdelay $0x1  }
0x89: {  	(v2sf) =	vpush v1, $0x2;
	_ =	sdelay $0xb  }
0x8a: {  	s16 =	spop (v2sf)  }
0x8b: {  	s15 =	smul.f32 s16, s16;
	s17 =	spop (v2sf)  }
0x8c: {  	s16 =	smul.f32 s17, s17  }
0x8d: {  	s17 =	spop (v2sf)  }
0x8e: {  	s17 =	smul.f32 s17, s17;
	s15 =	sadd.f32 s16, s15  }
0x8f: {  	_ = 	snop  }
0x90: {  	s15 =	sadd.f32 s15, s17;
	_ =	sdelay $0x1  }
0x91: {  	s15 =	smax.f32 s15, $9.999999960e-13  }
0x92: {  	s17 =	sshrl.u32 s15, $0x1;
	s15 =	smul.f32 $5.000000000e-01, s15  }
0x93: {  	s16 =	ssub.s32 $0x5F3759DF, s17  }
0x94: {  	s17 =	smul.f32 s16, s15;
	_ =	sdelay $0x1  }
0x95: {  	s17 =	smul.f32 s16, s17;
	_ =	sdelay $0x1  }
0x96: {  	s17 =	ssub.f32 $1.500000000e+00, s17;
	_ =	sdelay $0x1  }
0x97: {  	s16 =	smul.f32 s16, s17;
	_ =	sdelay $0x1  }
0x98: {  	s17 =	smul.f32 s16, s15;
	_ =	sdelay $0x1  }
0x99: {  	s17 =	smul.f32 s17, s16;
	_ =	sdelay $0x1  }
0x9a: {  	s17 =	ssub.f32 $1.500000000e+00, s17;
	_ =	sdelay $0x1  }
0x9b: {  	s16 =	smul.f32 s17, s16;
	_ =	sdelay $0x1  }
0x9c: {  	s15 =	smul.f32 s16, s15;
	_ =	sdelay $0x1  }
0x9d: {  	s15 =	smul.f32 s15, s16;
	_ =	sdelay $0x1  }
0x9e: {  	s15 =	ssub.f32 $1.500000000e+00, s15;
	_ =	sdelay $0x1  }
0x9f: {  	s15 =	smul.f32 s15, s16;
	_ =	sdelay $0x1  }
0xa0: {  	v1 =	vmul.f32 s15, v1;
	_ =	sdelay $0x1  }
0xa1: {  	[tilespmem:s14+$0xFFFFFFF0] =	vst v1  }
0xa2: {  	v1 =	vld [tilespmem:s12+$0x320]  }
0xa3: {  	v2 =	vld [tilespmem:s12+$0x330]  }
0xa4: {  	v3 =	vld [tilespmem:s12+$0x340]  }
0xa5: {  	v4 =	vld [tilespmem:s12+$0x350]  }
0xa6: {  	v46 =	vld [tilespmem:s12+$0x360]  }
0xa7: {  	v47 =	vld [tilespmem:s12+$0x370]  }
0xa8: {  	v48 =	vld [tilespmem:s12+$0x380]  }
0xa9: {  	v49 =	vld [tilespmem:s12+$0x390]  }
0xaa: {  	v50 =	vld [tilespmem:s12+$0x3A0]  }
0xab: {  	v51 =	vld [tilespmem:s12+$0x3B0]  }
0xac: {  	v52 =	vld [tilespmem:s12+$0x3C0]  }
0xad: {  	v53 =	vld [tilespmem:s12+$0x3D0]  }
0xae: {  	v54 =	vld [tilespmem:s12+$0x3E0]  }
0xaf: {  	v55 =	vld [tilespmem:s12+$0x3F0]  }
0xb0: {  	v56 =	vld [tilespmem:s12+$0x400]  }
0xb1: {  	v57 =	vld [tilespmem:s12+$0x410]  }
0xb2: {  	v58 =	vld [tilespmem:s12+$0x420]  }
0xb3: {  	v59 =	vld [tilespmem:s12+$0x430]  }
0xb4: {  	v60 =	vld [tilespmem:s12+$0x440]  }
0xb5: {  	v61 =	vld [tilespmem:s12+$0x450]  }
0xb6: {  	v62 =	vld [tilespmem:s12+$0x460]  }
0xb7: {  	v63 =	vld [tilespmem:s12+$0x470]  }
0xb8: {  	v36 =	vld [tilespmem:s12+$0x480]  }
0xb9: {  	v37 =	vld [tilespmem:s12+$0x490]  }
0xba: {  	v38 =	vld [tilespmem:s12+$0x4A0]  }
0xbb: {  	v39 =	vld [tilespmem:s12+$0x4B0]  }
0xbc: {  	v40 =	vld [tilespmem:s12+$0x4C0]  }
0xbd: {  	v41 =	vld [tilespmem:s12+$0x4D0]  }
0xbe: {  	v42 =	vld [tilespmem:s12+$0x4E0]  }
0xbf: {  	v43 =	vld [tilespmem:s12+$0x4F0]  }
0xc0: {  	v44 =	vld [tilespmem:s12+$0x500]  }
0xc1: {  	v45 =	vld [tilespmem:s12+$0x510]  }
0xc2: {  	v1 =	vadd.f32 v46, v1;
	v2 =	vadd.f32 v47, v2;
	v46 =	vld [tilespmem:s12+$0x520]  }
0xc3: {  	v3 =	vadd.f32 v48, v3;
	v4 =	vadd.f32 v49, v4;
	v47 =	vld [tilespmem:s12+$0x530]  }
0xc4: {  	v48 =	vld [tilespmem:s12+$0x540];
	v1 =	vadd.f32 v50, v1;
	v2 =	vadd.f32 v51, v2  }
0xc5: {  	v49 =	vld [tilespmem:s12+$0x550];
	v3 =	vadd.f32 v52, v3;
	v4 =	vadd.f32 v53, v4  }
0xc6: {  	v50 =	vld [tilespmem:s12+$0x560];
	v1 =	vadd.f32 v54, v1;
	v2 =	vadd.f32 v55, v2  }
0xc7: {  	v51 =	vld [tilespmem:s12+$0x570];
	v3 =	vadd.f32 v56, v3;
	v4 =	vadd.f32 v57, v4  }
0xc8: {  	v52 =	vld [tilespmem:s12+$0x580];
	v1 =	vadd.f32 v58, v1;
	v2 =	vadd.f32 v59, v2  }
0xc9: {  	v53 =	vld [tilespmem:s12+$0x590];
	v3 =	vadd.f32 v60, v3;
	v4 =	vadd.f32 v61, v4  }
0xca: {  	v54 =	vld [tilespmem:s12+$0x5A0];
	v1 =	vadd.f32 v62, v1;
	v2 =	vadd.f32 v63, v2  }
0xcb: {  	v55 =	vld [tilespmem:s12+$0x5B0];
	v3 =	vadd.f32 v36, v3;
	v4 =	vadd.f32 v37, v4  }
0xcc: {  	v56 =	vld [tilespmem:s12+$0x5C0];
	v1 =	vadd.f32 v38, v1;
	v2 =	vadd.f32 v39, v2  }
0xcd: {  	v57 =	vld [tilespmem:s12+$0x5D0];
	v3 =	vadd.f32 v40, v3;
	v4 =	vadd.f32 v41, v4  }
0xce: {  	v58 =	vld [tilespmem:s12+$0x5E0];
	v1 =	vadd.f32 v42, v1;
	v2 =	vadd.f32 v43, v2  }
0xcf: {  	v59 =	vld [tilespmem:s12+$0x5F0];
	v3 =	vadd.f32 v44, v3;
	v4 =	vadd.f32 v45, v4  }
0xd0: {  	v60 =	vld [tilespmem:s12+$0x600];
	v1 =	vadd.f32 v46, v1;
	v2 =	vadd.f32 v47, v2  }
0xd1: {  	v61 =	vld [tilespmem:s12+$0x610];
	v3 =	vadd.f32 v48, v3;
	v4 =	vadd.f32 v49, v4  }
0xd2: {  	v62 =	vld [tilespmem:s12+$0x620];
	v1 =	vadd.f32 v50, v1;
	v2 =	vadd.f32 v51, v2  }
0xd3: {  	v63 =	vld [tilespmem:s12+$0x630];
	v3 =	vadd.f32 v52, v3;
	v4 =	vadd.f32 v53, v4  }
0xd4: {  	v1 =	vadd.f32 v54, v1;
	v2 =	vadd.f32 v55, v2  }
0xd5: {  	v3 =	vadd.f32 v56, v3;
	v4 =	vadd.f32 v57, v4  }
0xd6: {  	v1 =	vadd.f32 v58, v1;
	v2 =	vadd.f32 v59, v2  }
0xd7: {  	v3 =	vadd.f32 v60, v3;
	v4 =	vadd.f32 v61, v4  }
0xd8: {  	v1 =	vadd.f32 v62, v1;
	v2 =	vadd.f32 v63, v2;
	_ =	sdelay $0x1  }
0xd9: {  	v1 =	vadd.f32 v2, v1;
	v2 =	vadd.f32 v4, v3;
	_ =	sdelay $0x1  }
0xda: {  	v1 =	vadd.f32 v1, v2;
	_ =	sdelay $0x1  }
0xdb: {  	v1 =	vmul.f32 $1.999999960e-02, v1;
	_ =	sdelay $0x1  }
0xdc: {  	v1 =	vadd.f32 v1, v0;
	_ =	sdelay $0x1  }
0xdd: {  	(v2sf) =	vpush v1, $0x0  }
0xde: {  	(v2sf) =	vpush v1, $0x1;
	_ =	sdelay $0x1  }
0xdf: {  	(v2sf) =	vpush v1, $0x2;
	_ =	sdelay $0xb  }
0xe0: {  	s16 =	spop (v2sf)  }
0xe1: {  	s17 =	spop (v2sf);
	s15 =	smul.f32 s16, s16  }
0xe2: {  	s16 =	smul.f32 s17, s17  }
0xe3: {  	s17 =	spop (v2sf)  }
0xe4: {  	s17 =	smul.f32 s17, s17;
	s15 =	sadd.f32 s16, s15  }
0xe5: {  	_ = 	snop  }
0xe6: {  	s15 =	sadd.f32 s15, s17;
	_ =	sdelay $0x1  }
0xe7: {  	s15 =	smax.f32 s15, $9.999999960e-13  }
0xe8: {  	s17 =	sshrl.u32 s15, $0x1;
	s15 =	smul.f32 $5.000000000e-01, s15  }
0xe9: {  	s16 =	ssub.s32 $0x5F3759DF, s17  }
0xea: {  	s17 =	smul.f32 s16, s15;
	_ =	sdelay $0x1  }
0xeb: {  	s17 =	smul.f32 s16, s17;
	_ =	sdelay $0x1  }
0xec: {  	s17 =	ssub.f32 $1.500000000e+00, s17;
	_ =	sdelay $0x1  }
0xed: {  	s16 =	smul.f32 s16, s17;
	_ =	sdelay $0x1  }
0xee: {  	s17 =	smul.f32 s16, s15;
	_ =	sdelay $0x1  }
0xef: {  	s17 =	smul.f32 s17, s16;
	_ =	sdelay $0x1  }
0xf0: {  	s17 =	ssub.f32 $1.500000000e+00, s17;
	_ =	sdelay $0x1  }
0xf1: {  	s16 =	smul.f32 s17, s16;
	_ =	sdelay $0x1  }
0xf2: {  	s15 =	smul.f32 s16, s15;
	_ =	sdelay $0x1  }
0xf3: {  	s15 =	smul.f32 s15, s16;
	_ =	sdelay $0x1  }
0xf4: {  	s15 =	ssub.f32 $1.500000000e+00, s15;
	_ =	sdelay $0x1  }
0xf5: {  	p0 =	sne.s32 s13, $0x6660;
	s15 =	smul.f32 s15, s16  }
.Ltmp0:
0xf6: {  	_ = 	snop;
	(pc) =	sbr.rel @p0 .LBB2_2-.Ltmp0, $3  }
0xf7: {  	_ = 	snop  }
0xf8: {  	v1 =	vmul.f32 s15, v1;
	_ =	sdelay $0x1  }
0xf9: {  	s13 =	sadd.s32 $0x1A0, s13;
	s12 =	sadd.s32 $0x640, s12;
	[tilespmem:s14+$0x0] =	vst v1;
	s14 =	sadd.s32 $0x20, s14  }
0xfa: {  	s12 =	simm.s32 $0x0;
	s13 =	simm.s32 $0x1AF10  }
.LBB2_4:
0xfb: {  	_ =	swait.ge [sflag:s2], $0x640  }
0xfc: {  	[sflag:s2] =	ssyncset.done $0x0  }
0xfd: {  	s14 =	sshra.s32 s12, $0x2;
	[sflag:s2] =	ssyncadd.s32 $0xFFFFF9C0  }
0xfe: {  	v1 =	vld [tilespmem:s14+$0x11400]  }
0xff: {  	v2 =	vld [tilespmem:s14+$0x11410]  }
0x100: {  	v3 =	vld [tilespmem:s14+$0x11420]  }
0x101: {  	v4 =	vld [tilespmem:s14+$0x11430]  }
0x102: {  	v5 =	vld [tilespmem:s14+$0x11440]  }
0x103: {  	v6 =	vld [tilespmem:s14+$0x11450]  }
0x104: {  	v7 =	vld [tilespmem:s14+$0x11460]  }
0x105: {  	v8 =	vld [tilespmem:s14+$0x11470]  }
0x106: {  	v9 =	vld [tilespmem:s14+$0x11480]  }
0x107: {  	v10 =	vld [tilespmem:s14+$0x11490]  }
0x108: {  	v11 =	vld [tilespmem:s14+$0x114A0]  }
0x109: {  	v12 =	vld [tilespmem:s14+$0x114B0]  }
0x10a: {  	v13 =	vld [tilespmem:s14+$0x114C0]  }
0x10b: {  	v14 =	vld [tilespmem:s14+$0x114D0]  }
0x10c: {  	v15 =	vld [tilespmem:s14+$0x114E0]  }
0x10d: {  	v16 =	vld [tilespmem:s14+$0x114F0]  }
0x10e: {  	v17 =	vld [tilespmem:s14+$0x11500]  }
0x10f: {  	v18 =	vld [tilespmem:s14+$0x11510]  }
0x110: {  	v19 =	vld [tilespmem:s14+$0x11520]  }
0x111: {  	v20 =	vld [tilespmem:s14+$0x11530]  }
0x112: {  	v21 =	vld [tilespmem:s14+$0x11540]  }
0x113: {  	v22 =	vld [tilespmem:s14+$0x11550]  }
0x114: {  	v23 =	vld [tilespmem:s14+$0x11560]  }
0x115: {  	v24 =	vld [tilespmem:s14+$0x11570]  }
0x116: {  	v25 =	vld [tilespmem:s14+$0x11580]  }
0x117: {  	v26 =	vld [tilespmem:s14+$0x11590]  }
0x118: {  	v27 =	vld [tilespmem:s14+$0x115A0]  }
0x119: {  	v28 =	vld [tilespmem:s14+$0x115B0]  }
0x11a: {  	v29 =	vld [tilespmem:s14+$0x115C0]  }
0x11b: {  	v30 =	vld [tilespmem:s14+$0x115D0]  }
0x11c: {  	v31 =	vld [tilespmem:s14+$0x115E0]  }
0x11d: {  	v32 =	vld [tilespmem:s14+$0x115F0]  }
0x11e: {  	v59 =	vld [tilespmem:s14+$0x11600];
	v1 =	vadd.f32 v5, v1;
	v2 =	vadd.f32 v6, v2  }
0x11f: {  	v60 =	vld [tilespmem:s14+$0x11610];
	v3 =	vadd.f32 v7, v3;
	v4 =	vadd.f32 v8, v4  }
0x120: {  	v61 =	vld [tilespmem:s14+$0x11620];
	v1 =	vadd.f32 v9, v1;
	v2 =	vadd.f32 v10, v2  }
0x121: {  	v62 =	vld [tilespmem:s14+$0x11630];
	v3 =	vadd.f32 v11, v3;
	v4 =	vadd.f32 v12, v4  }
0x122: {  	v63 =	vld [tilespmem:s14+$0x11640];
	v1 =	vadd.f32 v13, v1;
	v2 =	vadd.f32 v14, v2  }
0x123: {  	v33 =	vld [tilespmem:s14+$0x11650];
	v3 =	vadd.f32 v15, v3;
	v4 =	vadd.f32 v16, v4  }
0x124: {  	v34 =	vld [tilespmem:s14+$0x11660];
	v1 =	vadd.f32 v17, v1;
	v2 =	vadd.f32 v18, v2  }
0x125: {  	v35 =	vld [tilespmem:s14+$0x11670];
	v3 =	vadd.f32 v19, v3;
	v4 =	vadd.f32 v20, v4  }
0x126: {  	v36 =	vld [tilespmem:s14+$0x11680];
	v1 =	vadd.f32 v21, v1;
	v2 =	vadd.f32 v22, v2  }
0x127: {  	v37 =	vld [tilespmem:s14+$0x11690];
	v3 =	vadd.f32 v23, v3;
	v4 =	vadd.f32 v24, v4  }
0x128: {  	v38 =	vld [tilespmem:s14+$0x116A0];
	v1 =	vadd.f32 v25, v1;
	v2 =	vadd.f32 v26, v2  }
0x129: {  	v39 =	vld [tilespmem:s14+$0x116B0];
	v3 =	vadd.f32 v27, v3;
	v4 =	vadd.f32 v28, v4  }
0x12a: {  	v40 =	vld [tilespmem:s14+$0x116C0];
	v1 =	vadd.f32 v29, v1;
	v2 =	vadd.f32 v30, v2  }
0x12b: {  	v41 =	vld [tilespmem:s14+$0x116D0];
	v3 =	vadd.f32 v31, v3;
	v4 =	vadd.f32 v32, v4  }
0x12c: {  	v42 =	vld [tilespmem:s14+$0x116E0];
	v1 =	vadd.f32 v59, v1;
	v2 =	vadd.f32 v60, v2  }
0x12d: {  	v43 =	vld [tilespmem:s14+$0x116F0];
	v3 =	vadd.f32 v61, v3;
	v4 =	vadd.f32 v62, v4  }
0x12e: {  	v44 =	vld [tilespmem:s14+$0x11700];
	v1 =	vadd.f32 v63, v1;
	v2 =	vadd.f32 v33, v2  }
0x12f: {  	v45 =	vld [tilespmem:s14+$0x11710];
	v3 =	vadd.f32 v34, v3;
	v4 =	vadd.f32 v35, v4  }
0x130: {  	v1 =	vadd.f32 v36, v1;
	v2 =	vadd.f32 v37, v2  }
0x131: {  	v3 =	vadd.f32 v38, v3;
	v4 =	vadd.f32 v39, v4  }
0x132: {  	v1 =	vadd.f32 v40, v1;
	v2 =	vadd.f32 v41, v2  }
0x133: {  	v3 =	vadd.f32 v42, v3;
	v4 =	vadd.f32 v43, v4  }
0x134: {  	v1 =	vadd.f32 v44, v1;
	v2 =	vadd.f32 v45, v2;
	_ =	sdelay $0x1  }
0x135: {  	v1 =	vadd.f32 v2, v1;
	v2 =	vadd.f32 v4, v3;
	_ =	sdelay $0x1  }
0x136: {  	v1 =	vadd.f32 v1, v2;
	_ =	sdelay $0x1  }
0x137: {  	v1 =	vmul.f32 $1.999999960e-02, v1;
	_ =	sdelay $0x1  }
0x138: {  	v1 =	vadd.f32 v1, v0;
	_ =	sdelay $0x1  }
0x139: {  	(v2sf) =	vpush v1, $0x0  }
0x13a: {  	(v2sf) =	vpush v1, $0x1;
	_ =	sdelay $0x1  }
0x13b: {  	(v2sf) =	vpush v1, $0x2;
	_ =	sdelay $0xb  }
0x13c: {  	s15 =	spop (v2sf)  }
0x13d: {  	s15 =	smul.f32 s15, s15;
	s16 =	spop (v2sf)  }
0x13e: {  	s16 =	smul.f32 s16, s16  }
0x13f: {  	s17 =	spop (v2sf)  }
0x140: {  	s17 =	smul.f32 s17, s17;
	s15 =	sadd.f32 s16, s15  }
0x141: {  	_ = 	snop  }
0x142: {  	s15 =	sadd.f32 s15, s17;
	_ =	sdelay $0x1  }
0x143: {  	s15 =	smax.f32 s15, $9.999999960e-13  }
0x144: {  	s17 =	sshrl.u32 s15, $0x1;
	s15 =	smul.f32 $5.000000000e-01, s15  }
0x145: {  	s16 =	ssub.s32 $0x5F3759DF, s17  }
0x146: {  	s17 =	smul.f32 s16, s15;
	_ =	sdelay $0x1  }
0x147: {  	s17 =	smul.f32 s16, s17;
	_ =	sdelay $0x1  }
0x148: {  	s17 =	ssub.f32 $1.500000000e+00, s17;
	_ =	sdelay $0x1  }
0x149: {  	s16 =	smul.f32 s16, s17;
	_ =	sdelay $0x1  }
0x14a: {  	s17 =	smul.f32 s16, s15;
	_ =	sdelay $0x1  }
0x14b: {  	s17 =	smul.f32 s17, s16;
	_ =	sdelay $0x1  }
0x14c: {  	s17 =	ssub.f32 $1.500000000e+00, s17;
	_ =	sdelay $0x1  }
0x14d: {  	s16 =	smul.f32 s17, s16;
	_ =	sdelay $0x1  }
0x14e: {  	s15 =	smul.f32 s16, s15;
	_ =	sdelay $0x1  }
0x14f: {  	s15 =	smul.f32 s15, s16;
	_ =	sdelay $0x1  }
0x150: {  	s15 =	ssub.f32 $1.500000000e+00, s15;
	_ =	sdelay $0x1  }
0x151: {  	s15 =	smul.f32 s15, s16;
	_ =	sdelay $0x1  }
0x152: {  	v1 =	vmul.f32 s15, v1;
	_ =	sdelay $0x1  }
0x153: {  	[tilespmem:s13+$0xFFFFFFF0] =	vst v1  }
0x154: {  	v1 =	vld [tilespmem:s14+$0x11720]  }
0x155: {  	v2 =	vld [tilespmem:s14+$0x11730]  }
0x156: {  	v3 =	vld [tilespmem:s14+$0x11740]  }
0x157: {  	v4 =	vld [tilespmem:s14+$0x11750]  }
0x158: {  	v46 =	vld [tilespmem:s14+$0x11760]  }
0x159: {  	v47 =	vld [tilespmem:s14+$0x11770]  }
0x15a: {  	v48 =	vld [tilespmem:s14+$0x11780]  }
0x15b: {  	v49 =	vld [tilespmem:s14+$0x11790]  }
0x15c: {  	v50 =	vld [tilespmem:s14+$0x117A0]  }
0x15d: {  	v51 =	vld [tilespmem:s14+$0x117B0]  }
0x15e: {  	v52 =	vld [tilespmem:s14+$0x117C0]  }
0x15f: {  	v53 =	vld [tilespmem:s14+$0x117D0]  }
0x160: {  	v54 =	vld [tilespmem:s14+$0x117E0]  }
0x161: {  	v55 =	vld [tilespmem:s14+$0x117F0]  }
0x162: {  	v56 =	vld [tilespmem:s14+$0x11800]  }
0x163: {  	v57 =	vld [tilespmem:s14+$0x11810]  }
0x164: {  	v58 =	vld [tilespmem:s14+$0x11820]  }
0x165: {  	v59 =	vld [tilespmem:s14+$0x11830]  }
0x166: {  	v60 =	vld [tilespmem:s14+$0x11840]  }
0x167: {  	v61 =	vld [tilespmem:s14+$0x11850]  }
0x168: {  	v62 =	vld [tilespmem:s14+$0x11860]  }
0x169: {  	v63 =	vld [tilespmem:s14+$0x11870]  }
0x16a: {  	v36 =	vld [tilespmem:s14+$0x11880]  }
0x16b: {  	v37 =	vld [tilespmem:s14+$0x11890]  }
0x16c: {  	v38 =	vld [tilespmem:s14+$0x118A0]  }
0x16d: {  	v39 =	vld [tilespmem:s14+$0x118B0]  }
0x16e: {  	v40 =	vld [tilespmem:s14+$0x118C0]  }
0x16f: {  	v41 =	vld [tilespmem:s14+$0x118D0]  }
0x170: {  	v42 =	vld [tilespmem:s14+$0x118E0]  }
0x171: {  	v43 =	vld [tilespmem:s14+$0x118F0]  }
0x172: {  	v44 =	vld [tilespmem:s14+$0x11900]  }
0x173: {  	v45 =	vld [tilespmem:s14+$0x11910]  }
0x174: {  	v1 =	vadd.f32 v46, v1;
	v2 =	vadd.f32 v47, v2;
	v46 =	vld [tilespmem:s14+$0x11920]  }
0x175: {  	v3 =	vadd.f32 v48, v3;
	v4 =	vadd.f32 v49, v4;
	v47 =	vld [tilespmem:s14+$0x11930]  }
0x176: {  	v48 =	vld [tilespmem:s14+$0x11940];
	v1 =	vadd.f32 v50, v1;
	v2 =	vadd.f32 v51, v2  }
0x177: {  	v49 =	vld [tilespmem:s14+$0x11950];
	v3 =	vadd.f32 v52, v3;
	v4 =	vadd.f32 v53, v4  }
0x178: {  	v50 =	vld [tilespmem:s14+$0x11960];
	v1 =	vadd.f32 v54, v1;
	v2 =	vadd.f32 v55, v2  }
0x179: {  	v51 =	vld [tilespmem:s14+$0x11970];
	v3 =	vadd.f32 v56, v3;
	v4 =	vadd.f32 v57, v4  }
0x17a: {  	v52 =	vld [tilespmem:s14+$0x11980];
	v1 =	vadd.f32 v58, v1;
	v2 =	vadd.f32 v59, v2  }
0x17b: {  	v53 =	vld [tilespmem:s14+$0x11990];
	v3 =	vadd.f32 v60, v3;
	v4 =	vadd.f32 v61, v4  }
0x17c: {  	v54 =	vld [tilespmem:s14+$0x119A0];
	v1 =	vadd.f32 v62, v1;
	v2 =	vadd.f32 v63, v2  }
0x17d: {  	v55 =	vld [tilespmem:s14+$0x119B0];
	v3 =	vadd.f32 v36, v3;
	v4 =	vadd.f32 v37, v4  }
0x17e: {  	v56 =	vld [tilespmem:s14+$0x119C0];
	v1 =	vadd.f32 v38, v1;
	v2 =	vadd.f32 v39, v2  }
0x17f: {  	v57 =	vld [tilespmem:s14+$0x119D0];
	v3 =	vadd.f32 v40, v3;
	v4 =	vadd.f32 v41, v4  }
0x180: {  	v58 =	vld [tilespmem:s14+$0x119E0];
	v1 =	vadd.f32 v42, v1;
	v2 =	vadd.f32 v43, v2  }
0x181: {  	v59 =	vld [tilespmem:s14+$0x119F0];
	v3 =	vadd.f32 v44, v3;
	v4 =	vadd.f32 v45, v4  }
0x182: {  	v60 =	vld [tilespmem:s14+$0x11A00];
	v1 =	vadd.f32 v46, v1;
	v2 =	vadd.f32 v47, v2  }
0x183: {  	v61 =	vld [tilespmem:s14+$0x11A10];
	v3 =	vadd.f32 v48, v3;
	v4 =	vadd.f32 v49, v4  }
0x184: {  	v62 =	vld [tilespmem:s14+$0x11A20];
	v1 =	vadd.f32 v50, v1;
	v2 =	vadd.f32 v51, v2  }
0x185: {  	v63 =	vld [tilespmem:s14+$0x11A30];
	v3 =	vadd.f32 v52, v3;
	v4 =	vadd.f32 v53, v4  }
0x186: {  	v1 =	vadd.f32 v54, v1;
	v2 =	vadd.f32 v55, v2  }
0x187: {  	v3 =	vadd.f32 v56, v3;
	v4 =	vadd.f32 v57, v4  }
0x188: {  	v1 =	vadd.f32 v58, v1;
	v2 =	vadd.f32 v59, v2  }
0x189: {  	v3 =	vadd.f32 v60, v3;
	v4 =	vadd.f32 v61, v4  }
0x18a: {  	v1 =	vadd.f32 v62, v1;
	v2 =	vadd.f32 v63, v2;
	_ =	sdelay $0x1  }
0x18b: {  	v1 =	vadd.f32 v2, v1;
	v2 =	vadd.f32 v4, v3;
	_ =	sdelay $0x1  }
0x18c: {  	v1 =	vadd.f32 v1, v2;
	_ =	sdelay $0x1  }
0x18d: {  	v1 =	vmul.f32 $1.999999960e-02, v1;
	_ =	sdelay $0x1  }
0x18e: {  	v1 =	vadd.f32 v1, v0;
	_ =	sdelay $0x1  }
0x18f: {  	(v2sf) =	vpush v1, $0x0  }
0x190: {  	(v2sf) =	vpush v1, $0x1;
	_ =	sdelay $0x1  }
0x191: {  	(v2sf) =	vpush v1, $0x2;
	_ =	sdelay $0xb  }
0x192: {  	s15 =	spop (v2sf)  }
0x193: {  	s16 =	spop (v2sf);
	s14 =	smul.f32 s15, s15  }
0x194: {  	s15 =	smul.f32 s16, s16  }
0x195: {  	s17 =	spop (v2sf)  }
0x196: {  	s17 =	smul.f32 s17, s17;
	s14 =	sadd.f32 s15, s14  }
0x197: {  	_ = 	snop  }
0x198: {  	s14 =	sadd.f32 s14, s17;
	_ =	sdelay $0x1  }
0x199: {  	s14 =	smax.f32 s14, $9.999999960e-13  }
0x19a: {  	s16 =	sshrl.u32 s14, $0x1;
	s14 =	smul.f32 $5.000000000e-01, s14  }
0x19b: {  	s15 =	ssub.s32 $0x5F3759DF, s16  }
0x19c: {  	s17 =	smul.f32 s15, s14;
	_ =	sdelay $0x1  }
0x19d: {  	s16 =	smul.f32 s15, s17;
	_ =	sdelay $0x1  }
0x19e: {  	s16 =	ssub.f32 $1.500000000e+00, s16;
	_ =	sdelay $0x1  }
0x19f: {  	s15 =	smul.f32 s15, s16;
	_ =	sdelay $0x1  }
0x1a0: {  	s16 =	smul.f32 s15, s14;
	_ =	sdelay $0x1  }
0x1a1: {  	s16 =	smul.f32 s16, s15;
	_ =	sdelay $0x1  }
0x1a2: {  	s16 =	ssub.f32 $1.500000000e+00, s16;
	_ =	sdelay $0x1  }
0x1a3: {  	s15 =	smul.f32 s16, s15;
	_ =	sdelay $0x1  }
0x1a4: {  	s14 =	smul.f32 s15, s14;
	_ =	sdelay $0x1  }
0x1a5: {  	s14 =	smul.f32 s14, s15;
	_ =	sdelay $0x1  }
0x1a6: {  	s14 =	ssub.f32 $1.500000000e+00, s14;
	_ =	sdelay $0x1  }
0x1a7: {  	p0 =	sne.s32 s12, $0x23F00;
	s14 =	smul.f32 s14, s15  }
.Ltmp1:
0x1a8: {  	_ = 	snop;
	(pc) =	sbr.rel @p0 .LBB2_4-.Ltmp1, $3  }
0x1a9: {  	_ = 	snop  }
0x1aa: {  	v1 =	vmul.f32 s14, v1;
	_ =	sdelay $0x1  }
0x1ab: {  	s12 =	sadd.s32 $0x1900, s12;
	[tilespmem:s13+$0x0] =	vst v1;
	s13 =	sadd.s32 $0x20, s13  }
0x1ac: {  	s11 =	sadd.s32 $0x1, s11  }
0x1ad: {  	p0 =	sne.s32 s11, s7  }
.Ltmp2:
0x1ae: {  	_ = 	snop;
	(pc) =	sbr.rel @p0 .LBB2_1-.Ltmp2, $4  }
0x1af: {  	[hbm4b:s6+s3] =	stream.linear.scatter [tilespmem:s9], [sflag:$0x2], $0x800, $0x38;
	[tilespmem:$0x1B210] =	vst v63  }
0x1b0: {  	_ =	swait.ge [sflag:s8], $0x800  }
0x1b1: {  	[sflag:s8] =	ssyncset.done $0x0  }
0x1b2: {  	[sflag:s8] =	ssyncadd.s32 $0xFFFFF800  }
0x1b3: {  	_ =	sfence.sel $0x180000  }
0x1b4: {  	[bflag:$0x0] =	sbarrier.arrive $0xFFFF  }
0x1b5: {  	_ =	strace $0x90000047  }
0x1b6: {  	s0 =	stileid.u32;
	[bflag:$0x2] =	sbarrier.arrive $0xFFFF  }
0x1b7: {  	p0 =	sne.s32 s0, $0x0;
	s0 =	rddreg [dreg:$0x2]  }
0x1b8: {  	s0 =	sadd.s32 @!p0 $0x100000, s0  }
0x1b9: {  	[sflag:s0] =	ssyncadd.tile.s32 @!p0 $0x1;
	_ =	shalt  }
.Lfunc_end2:
_tile_overlayer_lowered:
.L_overlay_start_2:
0x1ba: {  	(tag) =	ssettag $0x2  }
0x1bb: {  	s0 =	rddreg [dreg:$0x0];
	s2 =	stileid.u32  }
0x1bc: {  	s1 =	rddreg [dreg:$0x1];
	p0 =	sne.s32 s2, $0x0  }
0x1bd: {  	s3 =	rddreg [dreg:$0x2];
	[bflag:$0x3] =	sbarrier.arrive $0xFFFF;
	s2 =	simm.s32 @!p0 $0x1C02  }
0x1be: {  	[timem:s3], [sflag:s2] =	dma.local @!p0 [hbm:s0], s1  }
0x1bf: {  	s0 =	simm.s32 @!p0 $0x2  }
0x1c0: {  	_ =	swait.ge @!p0 [sflag:s0], s1  }
0x1c1: {  	s1 =	ssub.s32 @!p0 $0x0, s1;
	[sflag:s0] =	ssyncset.done @!p0 $0x0  }
0x1c2: {  	[sflag:s0] =	ssyncadd.s32 @!p0 s1  }
0x1c3: {  	[bflag:$0x3] =	sbarrier.arrive $0xFFFF  }
0x1c4: {  	_ =	shalt  }

</sc_bundles>
